<compile_context>
chip_gen: v7x
topology: tpu7x:2x2x1
jax: 0.10.2.dev20260603
libtpu: 0.0.44.dev20260713+nightly
codegen_flags: <defaults>
</compile_context>

<pallas_src>
import functools

import jax
import jax.numpy as jnp
from jax import lax
from jax.experimental import pallas as pl
from jax.experimental.pallas import tpu as pltpu
from jax.experimental.pallas import tpu_sc as plsc

_NF = 4
_FD = 16
_HID = 32
_EPS = 1e-12
_IDX_CHUNK = 128


def _sc_gather(u2_tab, i2_tab, u1_tab, i1_tab, uidx2d, iidx2d, B):
    info = plsc.get_sparse_core_info()
    nw = info.num_cores * info.num_subcores
    b_per_w = B // nw
    n_chunks = b_per_w // _IDX_CHUNK
    rows_per_w = n_chunks
    mesh = plsc.VectorSubcoreMesh(core_axis_name="c", subcore_axis_name="s")

    @functools.partial(
        pl.kernel,
        mesh=mesh,
        compiler_params=pltpu.CompilerParams(use_tc_tiling_on_sc=False),
        out_type=[
            jax.ShapeDtypeStruct((B, _HID), jnp.float32),
            jax.ShapeDtypeStruct((B, _HID), jnp.float32),
            jax.ShapeDtypeStruct((B,), jnp.float32),
            jax.ShapeDtypeStruct((B,), jnp.float32),
        ],
        scratch_types=[
            pltpu.VMEM((rows_per_w, _IDX_CHUNK), jnp.int32),
            pltpu.VMEM((rows_per_w, _IDX_CHUNK), jnp.int32),
            pltpu.VMEM((b_per_w, _HID), jnp.float32),
            pltpu.VMEM((b_per_w, _HID), jnp.float32),
            pltpu.VMEM((b_per_w,), jnp.float32),
            pltpu.VMEM((b_per_w,), jnp.float32),
            pltpu.SemaphoreType.DMA,
        ],
    )
    def gath(u2_t, i2_t, u1_t, i1_t, uix_h, iix_h, u2_o, i2_o, u1_o, i1_o,
             uix_v, iix_v, u2_v, i2_v, u1_v, i1_v, sem):
        wid = lax.axis_index("s") * info.num_cores + lax.axis_index("c")
        base = wid * b_per_w
        row0 = wid * rows_per_w
        pltpu.sync_copy(uix_h.at[pl.ds(row0, rows_per_w)], uix_v)
        pltpu.sync_copy(iix_h.at[pl.ds(row0, rows_per_w)], iix_v)
        copies = []
        for j in range(n_chunks):
            lo = j * _IDX_CHUNK
            copies.append(pltpu.async_copy(
                u2_t.at[uix_v.at[j]], u2_v.at[pl.ds(lo, _IDX_CHUNK)], sem))
            copies.append(pltpu.async_copy(
                i2_t.at[iix_v.at[j]], i2_v.at[pl.ds(lo, _IDX_CHUNK)], sem))
            copies.append(pltpu.async_copy(
                u1_t.at[uix_v.at[j]], u1_v.at[pl.ds(lo, _IDX_CHUNK)], sem))
            copies.append(pltpu.async_copy(
                i1_t.at[iix_v.at[j]], i1_v.at[pl.ds(lo, _IDX_CHUNK)], sem))
        for c in copies:
            c.wait()
        pltpu.sync_copy(u2_v, u2_o.at[pl.ds(base, b_per_w)])
        pltpu.sync_copy(i2_v, i2_o.at[pl.ds(base, b_per_w)])
        pltpu.sync_copy(u1_v, u1_o.at[pl.ds(base, b_per_w)])
        pltpu.sync_copy(i1_v, i1_o.at[pl.ds(base, b_per_w)])

    return gath(u2_tab, i2_tab, u1_tab, i1_tab, uidx2d, iidx2d)


def _tc_body(xf_ref, u1_ref, i1_ref, u2_ref, i2_ref, bias_ref, r_ref,
             w1_ref, b1_ref, w2_ref, b2_ref, g_ref, gt_ref, c_ref, o_ref):
    blk = xf_ref.shape[0]
    nl = _NF * _FD
    xall = jnp.dot(xf_ref[...].astype(jnp.float32), r_ref[...],
                   preferred_element_type=jnp.float32,
                   precision=lax.Precision.HIGHEST)
    xi = xall.astype(jnp.int32)
    lane = lax.broadcasted_iota(jnp.int32, (blk, nl), 1)
    msk = jnp.left_shift(jnp.int32(1), (_FD - 1) - (lane & (_FD - 1)))
    bits = (jnp.bitwise_and(xi, msk) != 0).astype(jnp.float32)
    bits16 = bits.astype(jnp.bfloat16)
    r2 = jnp.dot(bits16, w2_ref[...], preferred_element_type=jnp.float32)
    r2 = r2 + b2_ref[...]
    sq = r2 * r2
    n2 = jnp.dot(sq, g_ref[...], preferred_element_type=jnp.float32,
                 precision=lax.Precision.HIGHEST)
    inv = 1.0 / jnp.maximum(jnp.sqrt(n2), _EPS)
    invb = jnp.dot(inv, gt_ref[...], preferred_element_type=jnp.float32,
                   precision=lax.Precision.HIGHEST)
    fhat = r2 * invb
    s1 = jnp.dot(bits16, w1_ref[...], preferred_element_type=jnp.float32)
    s1 = s1 + b1_ref[...]
    s1n = s1 / jnp.maximum(jnp.abs(s1), _EPS)
    first_feat = jnp.sum(s1n, axis=1)
    fsum = jnp.dot(fhat, c_ref[...], preferred_element_type=jnp.float32,
                   precision=lax.Precision.HIGHEST)
    u2 = u2_ref[...]
    i2 = i2_ref[...]
    s = u2 + i2 + fsum
    sq_of_sum = jnp.sum(s * s, axis=1)
    sum_of_sq = (jnp.sum(u2 * u2, axis=1) + jnp.sum(i2 * i2, axis=1)
                 + jnp.sum(fhat * fhat, axis=1))
    second = 0.5 * (sq_of_sum - sum_of_sq)
    o_ref[...] = (bias_ref[0] + u1_ref[...] + i1_ref[...] + first_feat
                  + second)


def _tc_combine(xf, u1, i1, u2, i2, bias, rmat, w1, b1, w2, b2, g, gt, c):
    B = xf.shape[0]
    blk = 2048
    grid = (B // blk,)
    full = lambda shape: pl.BlockSpec(shape, lambda i: (0,) * len(shape))
    return pl.pallas_call(
        _tc_body,
        grid=grid,
        in_specs=[
            pl.BlockSpec((blk, _NF), lambda i: (i, 0)),
            pl.BlockSpec((blk,), lambda i: (i,)),
            pl.BlockSpec((blk,), lambda i: (i,)),
            pl.BlockSpec((blk, _HID), lambda i: (i, 0)),
            pl.BlockSpec((blk, _HID), lambda i: (i, 0)),
            pl.BlockSpec(memory_space=pltpu.SMEM),
            full(rmat.shape),
            full(w1.shape),
            full(b1.shape),
            full(w2.shape),
            full(b2.shape),
            full(g.shape),
            full(gt.shape),
            full(c.shape),
        ],
        out_specs=pl.BlockSpec((blk,), lambda i: (i,)),
        out_shape=jax.ShapeDtypeStruct((B,), jnp.float32),
    )(xf, u1, i1, u2, i2, bias, rmat, w1, b1, w2, b2, g, gt, c)


def kernel(x, bias, first_user_emb, first_item_emb, first_feat_w,
           first_feat_b, second_user_emb, second_item_emb, second_feat_w,
           second_feat_b):
    B = x.shape[0]
    nl = _NF * _FD
    nh = _NF * _HID
    uidx2d = x[:, 0].reshape(B // _IDX_CHUNK, _IDX_CHUNK)
    iidx2d = x[:, 1].reshape(B // _IDX_CHUNK, _IDX_CHUNK)
    u2, i2, u1, i1 = _sc_gather(
        second_user_emb, second_item_emb,
        first_user_emb.reshape(-1), first_item_emb.reshape(-1),
        uidx2d, iidx2d, B)
    lane64 = jnp.arange(nl)
    lane128 = jnp.arange(nh)
    rmat = (lane64[None, :] // _FD == jnp.arange(_NF)[:, None]).astype(
        jnp.float32)
    g = (lane128[:, None] // _HID == jnp.arange(_NF)[None, :]).astype(
        jnp.float32)
    gt = jnp.transpose(g)
    c = (lane128[:, None] % _HID == jnp.arange(_HID)[None, :]).astype(
        jnp.float32)
    w2 = (second_feat_w.transpose(0, 2, 1)[:, None, :, :]
          * jnp.eye(_NF)[:, :, None, None])
    w2 = w2.transpose(0, 2, 1, 3).reshape(nl, nh).astype(jnp.bfloat16)
    b2 = second_feat_b.reshape(1, nh)
    w1 = (first_feat_w.transpose(0, 2, 1)[:, None, :, :]
          * jnp.eye(_NF)[:, :, None, None])
    w1 = w1.transpose(0, 2, 1, 3).reshape(nl, _NF).astype(jnp.bfloat16)
    b1 = first_feat_b.reshape(1, _NF)
    xf = x[:, 2:]
    return _tc_combine(xf, u1, i1, u2, i2, bias, rmat, w1, b1, w2, b2, g,
                       gt, c)

# --- scband reference (transcript-rebuilt; emitter-appended) ---
"""Pipeline reference for scband-fm-15899968930432 (READ-ONLY COPY).

The authoritative reference and input builder live on the scoring server;
editing this copy changes nothing except your own understanding.
"""

import jax, jax.numpy as jnp
import numpy as np

N_USERS = 1000000
N_ITEMS = 1000000
FEAT_DIM = [16, 16, 16, 16]
HID = 32
B = 16384


def _binary(x, bits):
    mask = (2 ** jnp.arange(bits - 1, -1, -1)).astype(x.dtype)
    return (jnp.bitwise_and(x[:, None], mask) != 0).astype(jnp.float32)


def _normalize(v, eps=1e-12):
    n = jnp.sqrt(jnp.sum(v * v, axis=1, keepdims=True))
    return v / jnp.maximum(n, eps)


def _xavier(key, shape):
    limit = float(np.sqrt(6.0 / (shape[-1] + shape[-2])))
    return jax.random.uniform(key, shape, minval=-limit, maxval=limit, dtype=jnp.float32)


def setup_inputs(seed: int = 0) -> dict:
    key = jax.random.key(seed)
    ks = jax.random.split(key, 16)
    x = jax.random.randint(ks[0], (B, 2 + len(FEAT_DIM)), 0, 1000000, dtype=jnp.int32)
    bias = jnp.zeros((1,), jnp.float32)
    first_user_emb = _xavier(ks[1], (N_USERS, 1))
    first_item_emb = _xavier(ks[2], (N_ITEMS, 1))
    first_feat_w = jnp.stack([_xavier(ks[3 + i], (1, FEAT_DIM[i])) for i in range(len(FEAT_DIM))])
    first_feat_b = jnp.zeros((len(FEAT_DIM), 1), jnp.float32)
    second_user_emb = _xavier(ks[7], (N_USERS, HID))
    second_item_emb = _xavier(ks[8], (N_ITEMS, HID))
    second_feat_w = jnp.stack([_xavier(ks[9 + i], (HID, FEAT_DIM[i])) for i in range(len(FEAT_DIM))])
    second_feat_b = jnp.zeros((len(FEAT_DIM), HID), jnp.float32)
    return {
        "x": x,
        "bias": bias,
        "first_user_emb": first_user_emb,
        "first_item_emb": first_item_emb,
        "first_feat_w": first_feat_w,
        "first_feat_b": first_feat_b,
        "second_user_emb": second_user_emb,
        "second_item_emb": second_item_emb,
        "second_feat_w": second_feat_w,
        "second_feat_b": second_feat_b,
    }


def reference(x, bias, first_user_emb, first_item_emb, first_feat_w, first_feat_b,
              second_user_emb, second_item_emb, second_feat_w, second_feat_b):
    nf = len(FEAT_DIM)
    user_x = jnp.take(first_user_emb, x[:, 0], axis=0)
    item_x = jnp.take(first_item_emb, x[:, 1], axis=0)
    feat_parts = [
        _normalize(_binary(x[:, i + 2], FEAT_DIM[i]) @ first_feat_w[i].T + first_feat_b[i])
        for i in range(nf)
    ]
    feat_x = jnp.concatenate(feat_parts, axis=1)
    first_x = jnp.sum(jnp.concatenate([user_x, item_x, feat_x], axis=1), axis=1, keepdims=True)
    u2 = jnp.take(second_user_emb, x[:, 0], axis=0)[:, None, :]
    i2 = jnp.take(second_item_emb, x[:, 1], axis=0)[:, None, :]
    f2 = [
        _normalize(_binary(x[:, i + 2], FEAT_DIM[i]) @ second_feat_w[i].T + second_feat_b[i])[:, None, :]
        for i in range(nf)
    ]
    second_emb = jnp.concatenate([u2, i2] + f2, axis=1)
    square_of_sum = jnp.sum(second_emb, axis=1) ** 2
    sum_of_square = jnp.sum(second_emb ** 2, axis=1)
    second_x = 0.5 * jnp.sum(square_of_sum - sum_of_square, axis=1, keepdims=True)
    return jnp.squeeze(bias + first_x + second_x, axis=1)

if __name__ == "__main__":
    import jax
    _d = setup_inputs()
    print(jax.jit(kernel)(*tuple(_d.values())))

</pallas_src>

<mosaic_0001>
#map = affine_map<(d0, d1) -> (0, 0)>
#map1 = affine_map<(d0, d1) -> (0)>
module attributes {stable_mosaic.version = 14 : i64} {
  func.func @gath(%arg0: i32, %arg1: i32, %arg2: memref<1000000x32xf32, #tpu.memory_space<hbm>>, %arg3: memref<1000000x32xf32, #tpu.memory_space<hbm>>, %arg4: memref<1000000xf32, #tpu.memory_space<hbm>>, %arg5: memref<1000000xf32, #tpu.memory_space<hbm>>, %arg6: memref<128x128xi32, #tpu.memory_space<hbm>>, %arg7: memref<128x128xi32, #tpu.memory_space<hbm>>, %arg8: memref<16384x32xf32, #tpu.memory_space<hbm>>, %arg9: memref<16384x32xf32, #tpu.memory_space<hbm>>, %arg10: memref<16384xf32, #tpu.memory_space<hbm>>, %arg11: memref<16384xf32, #tpu.memory_space<hbm>>, %arg12: memref<4x128xi32, #tpu.memory_space<vmem>>, %arg13: memref<4x128xi32, #tpu.memory_space<vmem>>, %arg14: memref<512x32xf32, #tpu.memory_space<vmem>>, %arg15: memref<512x32xf32, #tpu.memory_space<vmem>>, %arg16: memref<512xf32, #tpu.memory_space<vmem>>, %arg17: memref<512xf32, #tpu.memory_space<vmem>>, %arg18: memref<!tpu.dma_semaphore, #tpu.memory_space<semaphore_mem>>) attributes {dimension_semantics = [#tpu.dimension_semantics<core_parallel>, #tpu.dimension_semantics<subcore_parallel>], iteration_bounds = array<i64: 2, 16>, scalar_prefetch = 0 : i64, scratch_operands = 7 : i64, tpu.core_type = #tpu.core_type<sc_vector_subcore>, window_params = [{transform_indices = #map}, {transform_indices = #map}, {transform_indices = #map1}, {transform_indices = #map1}, {transform_indices = #map}, {transform_indices = #map}, {transform_indices = #map}, {transform_indices = #map}, {transform_indices = #map1}, {transform_indices = #map1}]} {
    %mul3A = arith.constant 2 : i32
    %mul3A_0 = arith.muli %arg1, %mul3A : i32
    %add3A = arith.addi %mul3A_0, %arg0 : i32
    %mul3A_1 = arith.constant 512 : i32
    %mul3A_2 = arith.muli %add3A, %mul3A_1 : i32
    %mul3A_3 = arith.constant 4 : i32
    %mul3A_4 = arith.muli %add3A, %mul3A_3 : i32
    "tpu.region"() ({
      %run_scoped3A = tpu.sem_alloc : memref<!tpu.dma_semaphore, #tpu.memory_space<semaphore_mem>>
      %dma_start3A_291 = arith.constant 0 : i32
      %dma_start3A_292 = tpu.memref_slice %arg6[%mul3A_4, %dma_start3A_291] : memref<128x128xi32, #tpu.memory_space<hbm>> -> memref<4x128xi32, #tpu.memory_space<hbm>>
      %dma_start3A_293 = arith.constant 0 : i32
      %dma_start3A_294 = tpu.memref_slice %arg6[%mul3A_4, %dma_start3A_293] : memref<128x128xi32, #tpu.memory_space<hbm>> -> memref<4x128xi32, #tpu.memory_space<hbm>>
      tpu.enqueue_dma source(%dma_start3A_294 : memref<4x128xi32, #tpu.memory_space<hbm>>) target(%arg12 : memref<4x128xi32, #tpu.memory_space<vmem>>) target_semaphore(%run_scoped3A : memref<!tpu.dma_semaphore, #tpu.memory_space<semaphore_mem>>)
      %dma_wait3A_295 = arith.constant 0 : i32
      %dma_wait3A_296 = tpu.memref_slice %arg6[%mul3A_4, %dma_wait3A_295] : memref<128x128xi32, #tpu.memory_space<hbm>> -> memref<4x128xi32, #tpu.memory_space<hbm>>
      %dma_wait3A_297 = arith.constant 0 : i32
      %dma_wait3A_298 = tpu.memref_slice %arg6[%mul3A_4, %dma_wait3A_297] : memref<128x128xi32, #tpu.memory_space<hbm>> -> memref<4x128xi32, #tpu.memory_space<hbm>>
      tpu.wait_dma2 semaphore(%run_scoped3A : memref<!tpu.dma_semaphore, #tpu.memory_space<semaphore_mem>>) src(%dma_wait3A_298 : memref<4x128xi32, #tpu.memory_space<hbm>>) dst(%arg12 : memref<4x128xi32, #tpu.memory_space<vmem>>)
      tpu.yield
    }) : () -> ()
    "tpu.region"() ({
      %run_scoped3A = tpu.sem_alloc : memref<!tpu.dma_semaphore, #tpu.memory_space<semaphore_mem>>
      %dma_start3A_291 = arith.constant 0 : i32
      %dma_start3A_292 = tpu.memref_slice %arg7[%mul3A_4, %dma_start3A_291] : memref<128x128xi32, #tpu.memory_space<hbm>> -> memref<4x128xi32, #tpu.memory_space<hbm>>
      %dma_start3A_293 = arith.constant 0 : i32
      %dma_start3A_294 = tpu.memref_slice %arg7[%mul3A_4, %dma_start3A_293] : memref<128x128xi32, #tpu.memory_space<hbm>> -> memref<4x128xi32, #tpu.memory_space<hbm>>
      tpu.enqueue_dma source(%dma_start3A_294 : memref<4x128xi32, #tpu.memory_space<hbm>>) target(%arg13 : memref<4x128xi32, #tpu.memory_space<vmem>>) target_semaphore(%run_scoped3A : memref<!tpu.dma_semaphore, #tpu.memory_space<semaphore_mem>>)
      %dma_wait3A_295 = arith.constant 0 : i32
      %dma_wait3A_296 = tpu.memref_slice %arg7[%mul3A_4, %dma_wait3A_295] : memref<128x128xi32, #tpu.memory_space<hbm>> -> memref<4x128xi32, #tpu.memory_space<hbm>>
      %dma_wait3A_297 = arith.constant 0 : i32
      %dma_wait3A_298 = tpu.memref_slice %arg7[%mul3A_4, %dma_wait3A_297] : memref<128x128xi32, #tpu.memory_space<hbm>> -> memref<4x128xi32, #tpu.memory_space<hbm>>
      tpu.wait_dma2 semaphore(%run_scoped3A : memref<!tpu.dma_semaphore, #tpu.memory_space<semaphore_mem>>) src(%dma_wait3A_298 : memref<4x128xi32, #tpu.memory_space<hbm>>) dst(%arg13 : memref<4x128xi32, #tpu.memory_space<vmem>>)
      tpu.yield
    }) : () -> ()
    %dma_start3A = arith.constant 0 : i32
    %dma_start3A_5 = arith.constant 0 : i32
    %dma_start3A_6 = arith.constant 0 : i32
    %dma_start3A_7 = tpu.memref_slice %arg14[%dma_start3A_5, %dma_start3A_6] : memref<512x32xf32, #tpu.memory_space<vmem>> -> memref<128x32xf32, #tpu.memory_space<vmem>>
    %dma_start3A_8 = arith.constant 0 : i32
    %dma_start3A_9 = tpu.memref_slice %arg12[%dma_start3A, %dma_start3A_8] : memref<4x128xi32, #tpu.memory_space<vmem>> -> memref<1x128xi32, #tpu.memory_space<vmem>>
    %dma_start3A_10 = tpu.memref_squeeze %dma_start3A_9 : memref<1x128xi32, #tpu.memory_space<vmem>> -> memref<128xi32, #tpu.memory_space<vmem>>
    %dma_start3A_11 = arith.constant 0 : i32
    %dma_start3A_12 = arith.constant 0 : i32
    %dma_start3A_13 = tpu.memref_slice %arg2[%dma_start3A_11, %dma_start3A_12] : memref<1000000x32xf32, #tpu.memory_space<hbm>> -> memref<1000000x32xf32, #tpu.memory_space<hbm>>
    tpu.enqueue_indirect_dma source(%dma_start3A_13 : memref<1000000x32xf32, #tpu.memory_space<hbm>>) target(%dma_start3A_7 : memref<128x32xf32, #tpu.memory_space<vmem>>) offsets(%dma_start3A_10 : memref<128xi32, #tpu.memory_space<vmem>>) semaphore(%arg18 : memref<!tpu.dma_semaphore, #tpu.memory_space<semaphore_mem>>)
    %dma_start3A_14 = arith.constant 0 : i32
    %dma_start3A_15 = arith.constant 0 : i32
    %dma_start3A_16 = arith.constant 0 : i32
    %dma_start3A_17 = tpu.memref_slice %arg15[%dma_start3A_15, %dma_start3A_16] : memref<512x32xf32, #tpu.memory_space<vmem>> -> memref<128x32xf32, #tpu.memory_space<vmem>>
    %dma_start3A_18 = arith.constant 0 : i32
    %dma_start3A_19 = tpu.memref_slice %arg13[%dma_start3A_14, %dma_start3A_18] : memref<4x128xi32, #tpu.memory_space<vmem>> -> memref<1x128xi32, #tpu.memory_space<vmem>>
    %dma_start3A_20 = tpu.memref_squeeze %dma_start3A_19 : memref<1x128xi32, #tpu.memory_space<vmem>> -> memref<128xi32, #tpu.memory_space<vmem>>
    %dma_start3A_21 = arith.constant 0 : i32
    %dma_start3A_22 = arith.constant 0 : i32
    %dma_start3A_23 = tpu.memref_slice %arg3[%dma_start3A_21, %dma_start3A_22] : memref<1000000x32xf32, #tpu.memory_space<hbm>> -> memref<1000000x32xf32, #tpu.memory_space<hbm>>
    tpu.enqueue_indirect_dma source(%dma_start3A_23 : memref<1000000x32xf32, #tpu.memory_space<hbm>>) target(%dma_start3A_17 : memref<128x32xf32, #tpu.memory_space<vmem>>) offsets(%dma_start3A_20 : memref<128xi32, #tpu.memory_space<vmem>>) semaphore(%arg18 : memref<!tpu.dma_semaphore, #tpu.memory_space<semaphore_mem>>)
    %dma_start3A_24 = arith.constant 0 : i32
    %dma_start3A_25 = arith.constant 0 : i32
    %dma_start3A_26 = tpu.memref_slice %arg16[%dma_start3A_25] : memref<512xf32, #tpu.memory_space<vmem>> -> memref<128xf32, #tpu.memory_space<vmem>>
    %dma_start3A_27 = arith.constant 0 : i32
    %dma_start3A_28 = tpu.memref_slice %arg12[%dma_start3A_24, %dma_start3A_27] : memref<4x128xi32, #tpu.memory_space<vmem>> -> memref<1x128xi32, #tpu.memory_space<vmem>>
    %dma_start3A_29 = tpu.memref_squeeze %dma_start3A_28 : memref<1x128xi32, #tpu.memory_space<vmem>> -> memref<128xi32, #tpu.memory_space<vmem>>
    %dma_start3A_30 = arith.constant 0 : i32
    %dma_start3A_31 = tpu.memref_slice %arg4[%dma_start3A_30] : memref<1000000xf32, #tpu.memory_space<hbm>> -> memref<1000000xf32, #tpu.memory_space<hbm>>
    tpu.enqueue_indirect_dma source(%dma_start3A_31 : memref<1000000xf32, #tpu.memory_space<hbm>>) target(%dma_start3A_26 : memref<128xf32, #tpu.memory_space<vmem>>) offsets(%dma_start3A_29 : memref<128xi32, #tpu.memory_space<vmem>>) semaphore(%arg18 : memref<!tpu.dma_semaphore, #tpu.memory_space<semaphore_mem>>)
    %dma_start3A_32 = arith.constant 0 : i32
    %dma_start3A_33 = arith.constant 0 : i32
    %dma_start3A_34 = tpu.memref_slice %arg17[%dma_start3A_33] : memref<512xf32, #tpu.memory_space<vmem>> -> memref<128xf32, #tpu.memory_space<vmem>>
    %dma_start3A_35 = arith.constant 0 : i32
    %dma_start3A_36 = tpu.memref_slice %arg13[%dma_start3A_32, %dma_start3A_35] : memref<4x128xi32, #tpu.memory_space<vmem>> -> memref<1x128xi32, #tpu.memory_space<vmem>>
    %dma_start3A_37 = tpu.memref_squeeze %dma_start3A_36 : memref<1x128xi32, #tpu.memory_space<vmem>> -> memref<128xi32, #tpu.memory_space<vmem>>
    %dma_start3A_38 = arith.constant 0 : i32
    %dma_start3A_39 = tpu.memref_slice %arg5[%dma_start3A_38] : memref<1000000xf32, #tpu.memory_space<hbm>> -> memref<1000000xf32, #tpu.memory_space<hbm>>
    tpu.enqueue_indirect_dma source(%dma_start3A_39 : memref<1000000xf32, #tpu.memory_space<hbm>>) target(%dma_start3A_34 : memref<128xf32, #tpu.memory_space<vmem>>) offsets(%dma_start3A_37 : memref<128xi32, #tpu.memory_space<vmem>>) semaphore(%arg18 : memref<!tpu.dma_semaphore, #tpu.memory_space<semaphore_mem>>)
    %dma_start3A_40 = arith.constant 1 : i32
    %dma_start3A_41 = arith.constant 128 : i32
    %dma_start3A_42 = arith.constant 0 : i32
    %dma_start3A_43 = tpu.memref_slice %arg14[%dma_start3A_41, %dma_start3A_42] : memref<512x32xf32, #tpu.memory_space<vmem>> -> memref<128x32xf32, #tpu.memory_space<vmem>>
    %dma_start3A_44 = arith.constant 0 : i32
    %dma_start3A_45 = tpu.memref_slice %arg12[%dma_start3A_40, %dma_start3A_44] : memref<4x128xi32, #tpu.memory_space<vmem>> -> memref<1x128xi32, #tpu.memory_space<vmem>>
    %dma_start3A_46 = tpu.memref_squeeze %dma_start3A_45 : memref<1x128xi32, #tpu.memory_space<vmem>> -> memref<128xi32, #tpu.memory_space<vmem>>
    %dma_start3A_47 = arith.constant 0 : i32
    %dma_start3A_48 = arith.constant 0 : i32
    %dma_start3A_49 = tpu.memref_slice %arg2[%dma_start3A_47, %dma_start3A_48] : memref<1000000x32xf32, #tpu.memory_space<hbm>> -> memref<1000000x32xf32, #tpu.memory_space<hbm>>
    tpu.enqueue_indirect_dma source(%dma_start3A_49 : memref<1000000x32xf32, #tpu.memory_space<hbm>>) target(%dma_start3A_43 : memref<128x32xf32, #tpu.memory_space<vmem>>) offsets(%dma_start3A_46 : memref<128xi32, #tpu.memory_space<vmem>>) semaphore(%arg18 : memref<!tpu.dma_semaphore, #tpu.memory_space<semaphore_mem>>)
    %dma_start3A_50 = arith.constant 1 : i32
    %dma_start3A_51 = arith.constant 128 : i32
    %dma_start3A_52 = arith.constant 0 : i32
    %dma_start3A_53 = tpu.memref_slice %arg15[%dma_start3A_51, %dma_start3A_52] : memref<512x32xf32, #tpu.memory_space<vmem>> -> memref<128x32xf32, #tpu.memory_space<vmem>>
    %dma_start3A_54 = arith.constant 0 : i32
    %dma_start3A_55 = tpu.memref_slice %arg13[%dma_start3A_50, %dma_start3A_54] : memref<4x128xi32, #tpu.memory_space<vmem>> -> memref<1x128xi32, #tpu.memory_space<vmem>>
    %dma_start3A_56 = tpu.memref_squeeze %dma_start3A_55 : memref<1x128xi32, #tpu.memory_space<vmem>> -> memref<128xi32, #tpu.memory_space<vmem>>
    %dma_start3A_57 = arith.constant 0 : i32
    %dma_start3A_58 = arith.constant 0 : i32
    %dma_start3A_59 = tpu.memref_slice %arg3[%dma_start3A_57, %dma_start3A_58] : memref<1000000x32xf32, #tpu.memory_space<hbm>> -> memref<1000000x32xf32, #tpu.memory_space<hbm>>
    tpu.enqueue_indirect_dma source(%dma_start3A_59 : memref<1000000x32xf32, #tpu.memory_space<hbm>>) target(%dma_start3A_53 : memref<128x32xf32, #tpu.memory_space<vmem>>) offsets(%dma_start3A_56 : memref<128xi32, #tpu.memory_space<vmem>>) semaphore(%arg18 : memref<!tpu.dma_semaphore, #tpu.memory_space<semaphore_mem>>)
    %dma_start3A_60 = arith.constant 1 : i32
    %dma_start3A_61 = arith.constant 128 : i32
    %dma_start3A_62 = tpu.memref_slice %arg16[%dma_start3A_61] : memref<512xf32, #tpu.memory_space<vmem>> -> memref<128xf32, #tpu.memory_space<vmem>>
    %dma_start3A_63 = arith.constant 0 : i32
    %dma_start3A_64 = tpu.memref_slice %arg12[%dma_start3A_60, %dma_start3A_63] : memref<4x128xi32, #tpu.memory_space<vmem>> -> memref<1x128xi32, #tpu.memory_space<vmem>>
    %dma_start3A_65 = tpu.memref_squeeze %dma_start3A_64 : memref<1x128xi32, #tpu.memory_space<vmem>> -> memref<128xi32, #tpu.memory_space<vmem>>
    %dma_start3A_66 = arith.constant 0 : i32
    %dma_start3A_67 = tpu.memref_slice %arg4[%dma_start3A_66] : memref<1000000xf32, #tpu.memory_space<hbm>> -> memref<1000000xf32, #tpu.memory_space<hbm>>
    tpu.enqueue_indirect_dma source(%dma_start3A_67 : memref<1000000xf32, #tpu.memory_space<hbm>>) target(%dma_start3A_62 : memref<128xf32, #tpu.memory_space<vmem>>) offsets(%dma_start3A_65 : memref<128xi32, #tpu.memory_space<vmem>>) semaphore(%arg18 : memref<!tpu.dma_semaphore, #tpu.memory_space<semaphore_mem>>)
    %dma_start3A_68 = arith.constant 1 : i32
    %dma_start3A_69 = arith.constant 128 : i32
    %dma_start3A_70 = tpu.memref_slice %arg17[%dma_start3A_69] : memref<512xf32, #tpu.memory_space<vmem>> -> memref<128xf32, #tpu.memory_space<vmem>>
    %dma_start3A_71 = arith.constant 0 : i32
    %dma_start3A_72 = tpu.memref_slice %arg13[%dma_start3A_68, %dma_start3A_71] : memref<4x128xi32, #tpu.memory_space<vmem>> -> memref<1x128xi32, #tpu.memory_space<vmem>>
    %dma_start3A_73 = tpu.memref_squeeze %dma_start3A_72 : memref<1x128xi32, #tpu.memory_space<vmem>> -> memref<128xi32, #tpu.memory_space<vmem>>
    %dma_start3A_74 = arith.constant 0 : i32
    %dma_start3A_75 = tpu.memref_slice %arg5[%dma_start3A_74] : memref<1000000xf32, #tpu.memory_space<hbm>> -> memref<1000000xf32, #tpu.memory_space<hbm>>
    tpu.enqueue_indirect_dma source(%dma_start3A_75 : memref<1000000xf32, #tpu.memory_space<hbm>>) target(%dma_start3A_70 : memref<128xf32, #tpu.memory_space<vmem>>) offsets(%dma_start3A_73 : memref<128xi32, #tpu.memory_space<vmem>>) semaphore(%arg18 : memref<!tpu.dma_semaphore, #tpu.memory_space<semaphore_mem>>)
    %dma_start3A_76 = arith.constant 2 : i32
    %dma_start3A_77 = arith.constant 256 : i32
    %dma_start3A_78 = arith.constant 0 : i32
    %dma_start3A_79 = tpu.memref_slice %arg14[%dma_start3A_77, %dma_start3A_78] : memref<512x32xf32, #tpu.memory_space<vmem>> -> memref<128x32xf32, #tpu.memory_space<vmem>>
    %dma_start3A_80 = arith.constant 0 : i32
    %dma_start3A_81 = tpu.memref_slice %arg12[%dma_start3A_76, %dma_start3A_80] : memref<4x128xi32, #tpu.memory_space<vmem>> -> memref<1x128xi32, #tpu.memory_space<vmem>>
    %dma_start3A_82 = tpu.memref_squeeze %dma_start3A_81 : memref<1x128xi32, #tpu.memory_space<vmem>> -> memref<128xi32, #tpu.memory_space<vmem>>
    %dma_start3A_83 = arith.constant 0 : i32
    %dma_start3A_84 = arith.constant 0 : i32
    %dma_start3A_85 = tpu.memref_slice %arg2[%dma_start3A_83, %dma_start3A_84] : memref<1000000x32xf32, #tpu.memory_space<hbm>> -> memref<1000000x32xf32, #tpu.memory_space<hbm>>
    tpu.enqueue_indirect_dma source(%dma_start3A_85 : memref<1000000x32xf32, #tpu.memory_space<hbm>>) target(%dma_start3A_79 : memref<128x32xf32, #tpu.memory_space<vmem>>) offsets(%dma_start3A_82 : memref<128xi32, #tpu.memory_space<vmem>>) semaphore(%arg18 : memref<!tpu.dma_semaphore, #tpu.memory_space<semaphore_mem>>)
    %dma_start3A_86 = arith.constant 2 : i32
    %dma_start3A_87 = arith.constant 256 : i32
    %dma_start3A_88 = arith.constant 0 : i32
    %dma_start3A_89 = tpu.memref_slice %arg15[%dma_start3A_87, %dma_start3A_88] : memref<512x32xf32, #tpu.memory_space<vmem>> -> memref<128x32xf32, #tpu.memory_space<vmem>>
    %dma_start3A_90 = arith.constant 0 : i32
    %dma_start3A_91 = tpu.memref_slice %arg13[%dma_start3A_86, %dma_start3A_90] : memref<4x128xi32, #tpu.memory_space<vmem>> -> memref<1x128xi32, #tpu.memory_space<vmem>>
    %dma_start3A_92 = tpu.memref_squeeze %dma_start3A_91 : memref<1x128xi32, #tpu.memory_space<vmem>> -> memref<128xi32, #tpu.memory_space<vmem>>
    %dma_start3A_93 = arith.constant 0 : i32
    %dma_start3A_94 = arith.constant 0 : i32
    %dma_start3A_95 = tpu.memref_slice %arg3[%dma_start3A_93, %dma_start3A_94] : memref<1000000x32xf32, #tpu.memory_space<hbm>> -> memref<1000000x32xf32, #tpu.memory_space<hbm>>
    tpu.enqueue_indirect_dma source(%dma_start3A_95 : memref<1000000x32xf32, #tpu.memory_space<hbm>>) target(%dma_start3A_89 : memref<128x32xf32, #tpu.memory_space<vmem>>) offsets(%dma_start3A_92 : memref<128xi32, #tpu.memory_space<vmem>>) semaphore(%arg18 : memref<!tpu.dma_semaphore, #tpu.memory_space<semaphore_mem>>)
    %dma_start3A_96 = arith.constant 2 : i32
    %dma_start3A_97 = arith.constant 256 : i32
    %dma_start3A_98 = tpu.memref_slice %arg16[%dma_start3A_97] : memref<512xf32, #tpu.memory_space<vmem>> -> memref<128xf32, #tpu.memory_space<vmem>>
    %dma_start3A_99 = arith.constant 0 : i32
    %dma_start3A_100 = tpu.memref_slice %arg12[%dma_start3A_96, %dma_start3A_99] : memref<4x128xi32, #tpu.memory_space<vmem>> -> memref<1x128xi32, #tpu.memory_space<vmem>>
    %dma_start3A_101 = tpu.memref_squeeze %dma_start3A_100 : memref<1x128xi32, #tpu.memory_space<vmem>> -> memref<128xi32, #tpu.memory_space<vmem>>
    %dma_start3A_102 = arith.constant 0 : i32
    %dma_start3A_103 = tpu.memref_slice %arg4[%dma_start3A_102] : memref<1000000xf32, #tpu.memory_space<hbm>> -> memref<1000000xf32, #tpu.memory_space<hbm>>
    tpu.enqueue_indirect_dma source(%dma_start3A_103 : memref<1000000xf32, #tpu.memory_space<hbm>>) target(%dma_start3A_98 : memref<128xf32, #tpu.memory_space<vmem>>) offsets(%dma_start3A_101 : memref<128xi32, #tpu.memory_space<vmem>>) semaphore(%arg18 : memref<!tpu.dma_semaphore, #tpu.memory_space<semaphore_mem>>)
    %dma_start3A_104 = arith.constant 2 : i32
    %dma_start3A_105 = arith.constant 256 : i32
    %dma_start3A_106 = tpu.memref_slice %arg17[%dma_start3A_105] : memref<512xf32, #tpu.memory_space<vmem>> -> memref<128xf32, #tpu.memory_space<vmem>>
    %dma_start3A_107 = arith.constant 0 : i32
    %dma_start3A_108 = tpu.memref_slice %arg13[%dma_start3A_104, %dma_start3A_107] : memref<4x128xi32, #tpu.memory_space<vmem>> -> memref<1x128xi32, #tpu.memory_space<vmem>>
    %dma_start3A_109 = tpu.memref_squeeze %dma_start3A_108 : memref<1x128xi32, #tpu.memory_space<vmem>> -> memref<128xi32, #tpu.memory_space<vmem>>
    %dma_start3A_110 = arith.constant 0 : i32
    %dma_start3A_111 = tpu.memref_slice %arg5[%dma_start3A_110] : memref<1000000xf32, #tpu.memory_space<hbm>> -> memref<1000000xf32, #tpu.memory_space<hbm>>
    tpu.enqueue_indirect_dma source(%dma_start3A_111 : memref<1000000xf32, #tpu.memory_space<hbm>>) target(%dma_start3A_106 : memref<128xf32, #tpu.memory_space<vmem>>) offsets(%dma_start3A_109 : memref<128xi32, #tpu.memory_space<vmem>>) semaphore(%arg18 : memref<!tpu.dma_semaphore, #tpu.memory_space<semaphore_mem>>)
    %dma_start3A_112 = arith.constant 3 : i32
    %dma_start3A_113 = arith.constant 384 : i32
    %dma_start3A_114 = arith.constant 0 : i32
    %dma_start3A_115 = tpu.memref_slice %arg14[%dma_start3A_113, %dma_start3A_114] : memref<512x32xf32, #tpu.memory_space<vmem>> -> memref<128x32xf32, #tpu.memory_space<vmem>>
    %dma_start3A_116 = arith.constant 0 : i32
    %dma_start3A_117 = tpu.memref_slice %arg12[%dma_start3A_112, %dma_start3A_116] : memref<4x128xi32, #tpu.memory_space<vmem>> -> memref<1x128xi32, #tpu.memory_space<vmem>>
    %dma_start3A_118 = tpu.memref_squeeze %dma_start3A_117 : memref<1x128xi32, #tpu.memory_space<vmem>> -> memref<128xi32, #tpu.memory_space<vmem>>
    %dma_start3A_119 = arith.constant 0 : i32
    %dma_start3A_120 = arith.constant 0 : i32
    %dma_start3A_121 = tpu.memref_slice %arg2[%dma_start3A_119, %dma_start3A_120] : memref<1000000x32xf32, #tpu.memory_space<hbm>> -> memref<1000000x32xf32, #tpu.memory_space<hbm>>
    tpu.enqueue_indirect_dma source(%dma_start3A_121 : memref<1000000x32xf32, #tpu.memory_space<hbm>>) target(%dma_start3A_115 : memref<128x32xf32, #tpu.memory_space<vmem>>) offsets(%dma_start3A_118 : memref<128xi32, #tpu.memory_space<vmem>>) semaphore(%arg18 : memref<!tpu.dma_semaphore, #tpu.memory_space<semaphore_mem>>)
    %dma_start3A_122 = arith.constant 3 : i32
    %dma_start3A_123 = arith.constant 384 : i32
    %dma_start3A_124 = arith.constant 0 : i32
    %dma_start3A_125 = tpu.memref_slice %arg15[%dma_start3A_123, %dma_start3A_124] : memref<512x32xf32, #tpu.memory_space<vmem>> -> memref<128x32xf32, #tpu.memory_space<vmem>>
    %dma_start3A_126 = arith.constant 0 : i32
    %dma_start3A_127 = tpu.memref_slice %arg13[%dma_start3A_122, %dma_start3A_126] : memref<4x128xi32, #tpu.memory_space<vmem>> -> memref<1x128xi32, #tpu.memory_space<vmem>>
    %dma_start3A_128 = tpu.memref_squeeze %dma_start3A_127 : memref<1x128xi32, #tpu.memory_space<vmem>> -> memref<128xi32, #tpu.memory_space<vmem>>
    %dma_start3A_129 = arith.constant 0 : i32
    %dma_start3A_130 = arith.constant 0 : i32
    %dma_start3A_131 = tpu.memref_slice %arg3[%dma_start3A_129, %dma_start3A_130] : memref<1000000x32xf32, #tpu.memory_space<hbm>> -> memref<1000000x32xf32, #tpu.memory_space<hbm>>
    tpu.enqueue_indirect_dma source(%dma_start3A_131 : memref<1000000x32xf32, #tpu.memory_space<hbm>>) target(%dma_start3A_125 : memref<128x32xf32, #tpu.memory_space<vmem>>) offsets(%dma_start3A_128 : memref<128xi32, #tpu.memory_space<vmem>>) semaphore(%arg18 : memref<!tpu.dma_semaphore, #tpu.memory_space<semaphore_mem>>)
    %dma_start3A_132 = arith.constant 3 : i32
    %dma_start3A_133 = arith.constant 384 : i32
    %dma_start3A_134 = tpu.memref_slice %arg16[%dma_start3A_133] : memref<512xf32, #tpu.memory_space<vmem>> -> memref<128xf32, #tpu.memory_space<vmem>>
    %dma_start3A_135 = arith.constant 0 : i32
    %dma_start3A_136 = tpu.memref_slice %arg12[%dma_start3A_132, %dma_start3A_135] : memref<4x128xi32, #tpu.memory_space<vmem>> -> memref<1x128xi32, #tpu.memory_space<vmem>>
    %dma_start3A_137 = tpu.memref_squeeze %dma_start3A_136 : memref<1x128xi32, #tpu.memory_space<vmem>> -> memref<128xi32, #tpu.memory_space<vmem>>
    %dma_start3A_138 = arith.constant 0 : i32
    %dma_start3A_139 = tpu.memref_slice %arg4[%dma_start3A_138] : memref<1000000xf32, #tpu.memory_space<hbm>> -> memref<1000000xf32, #tpu.memory_space<hbm>>
    tpu.enqueue_indirect_dma source(%dma_start3A_139 : memref<1000000xf32, #tpu.memory_space<hbm>>) target(%dma_start3A_134 : memref<128xf32, #tpu.memory_space<vmem>>) offsets(%dma_start3A_137 : memref<128xi32, #tpu.memory_space<vmem>>) semaphore(%arg18 : memref<!tpu.dma_semaphore, #tpu.memory_space<semaphore_mem>>)
    %dma_start3A_140 = arith.constant 3 : i32
    %dma_start3A_141 = arith.constant 384 : i32
    %dma_start3A_142 = tpu.memref_slice %arg17[%dma_start3A_141] : memref<512xf32, #tpu.memory_space<vmem>> -> memref<128xf32, #tpu.memory_space<vmem>>
    %dma_start3A_143 = arith.constant 0 : i32
    %dma_start3A_144 = tpu.memref_slice %arg13[%dma_start3A_140, %dma_start3A_143] : memref<4x128xi32, #tpu.memory_space<vmem>> -> memref<1x128xi32, #tpu.memory_space<vmem>>
    %dma_start3A_145 = tpu.memref_squeeze %dma_start3A_144 : memref<1x128xi32, #tpu.memory_space<vmem>> -> memref<128xi32, #tpu.memory_space<vmem>>
    %dma_start3A_146 = arith.constant 0 : i32
    %dma_start3A_147 = tpu.memref_slice %arg5[%dma_start3A_146] : memref<1000000xf32, #tpu.memory_space<hbm>> -> memref<1000000xf32, #tpu.memory_space<hbm>>
    tpu.enqueue_indirect_dma source(%dma_start3A_147 : memref<1000000xf32, #tpu.memory_space<hbm>>) target(%dma_start3A_142 : memref<128xf32, #tpu.memory_space<vmem>>) offsets(%dma_start3A_145 : memref<128xi32, #tpu.memory_space<vmem>>) semaphore(%arg18 : memref<!tpu.dma_semaphore, #tpu.memory_space<semaphore_mem>>)
    %dma_wait3A = arith.constant 0 : i32
    %dma_wait3A_148 = arith.constant 0 : i32
    %dma_wait3A_149 = arith.constant 0 : i32
    %dma_wait3A_150 = tpu.memref_slice %arg14[%dma_wait3A_148, %dma_wait3A_149] : memref<512x32xf32, #tpu.memory_space<vmem>> -> memref<128x32xf32, #tpu.memory_space<vmem>>
    %dma_wait3A_151 = arith.constant 0 : i32
    %dma_wait3A_152 = tpu.memref_slice %arg12[%dma_wait3A, %dma_wait3A_151] : memref<4x128xi32, #tpu.memory_space<vmem>> -> memref<1x128xi32, #tpu.memory_space<vmem>>
    %dma_wait3A_153 = tpu.memref_squeeze %dma_wait3A_152 : memref<1x128xi32, #tpu.memory_space<vmem>> -> memref<128xi32, #tpu.memory_space<vmem>>
    %dma_wait3A_154 = arith.constant 0 : i32
    %dma_wait3A_155 = arith.constant 0 : i32
    %dma_wait3A_156 = tpu.memref_slice %arg2[%dma_wait3A_154, %dma_wait3A_155] : memref<1000000x32xf32, #tpu.memory_space<hbm>> -> memref<1000000x32xf32, #tpu.memory_space<hbm>>
    tpu.wait_indirect_dma semaphore(%arg18 : memref<!tpu.dma_semaphore, #tpu.memory_space<semaphore_mem>>) src(%dma_wait3A_156 : memref<1000000x32xf32, #tpu.memory_space<hbm>>) dst(%dma_wait3A_150 : memref<128x32xf32, #tpu.memory_space<vmem>>)
    %dma_wait3A_157 = arith.constant 0 : i32
    %dma_wait3A_158 = arith.constant 0 : i32
    %dma_wait3A_159 = arith.constant 0 : i32
    %dma_wait3A_160 = tpu.memref_slice %arg15[%dma_wait3A_158, %dma_wait3A_159] : memref<512x32xf32, #tpu.memory_space<vmem>> -> memref<128x32xf32, #tpu.memory_space<vmem>>
    %dma_wait3A_161 = arith.constant 0 : i32
    %dma_wait3A_162 = tpu.memref_slice %arg13[%dma_wait3A_157, %dma_wait3A_161] : memref<4x128xi32, #tpu.memory_space<vmem>> -> memref<1x128xi32, #tpu.memory_space<vmem>>
    %dma_wait3A_163 = tpu.memref_squeeze %dma_wait3A_162 : memref<1x128xi32, #tpu.memory_space<vmem>> -> memref<128xi32, #tpu.memory_space<vmem>>
    %dma_wait3A_164 = arith.constant 0 : i32
    %dma_wait3A_165 = arith.constant 0 : i32
    %dma_wait3A_166 = tpu.memref_slice %arg3[%dma_wait3A_164, %dma_wait3A_165] : memref<1000000x32xf32, #tpu.memory_space<hbm>> -> memref<1000000x32xf32, #tpu.memory_space<hbm>>
    tpu.wait_indirect_dma semaphore(%arg18 : memref<!tpu.dma_semaphore, #tpu.memory_space<semaphore_mem>>) src(%dma_wait3A_166 : memref<1000000x32xf32, #tpu.memory_space<hbm>>) dst(%dma_wait3A_160 : memref<128x32xf32, #tpu.memory_space<vmem>>)
    %dma_wait3A_167 = arith.constant 0 : i32
    %dma_wait3A_168 = arith.constant 0 : i32
    %dma_wait3A_169 = tpu.memref_slice %arg16[%dma_wait3A_168] : memref<512xf32, #tpu.memory_space<vmem>> -> memref<128xf32, #tpu.memory_space<vmem>>
    %dma_wait3A_170 = arith.constant 0 : i32
    %dma_wait3A_171 = tpu.memref_slice %arg12[%dma_wait3A_167, %dma_wait3A_170] : memref<4x128xi32, #tpu.memory_space<vmem>> -> memref<1x128xi32, #tpu.memory_space<vmem>>
    %dma_wait3A_172 = tpu.memref_squeeze %dma_wait3A_171 : memref<1x128xi32, #tpu.memory_space<vmem>> -> memref<128xi32, #tpu.memory_space<vmem>>
    %dma_wait3A_173 = arith.constant 0 : i32
    %dma_wait3A_174 = tpu.memref_slice %arg4[%dma_wait3A_173] : memref<1000000xf32, #tpu.memory_space<hbm>> -> memref<1000000xf32, #tpu.memory_space<hbm>>
    tpu.wait_indirect_dma semaphore(%arg18 : memref<!tpu.dma_semaphore, #tpu.memory_space<semaphore_mem>>) src(%dma_wait3A_174 : memref<1000000xf32, #tpu.memory_space<hbm>>) dst(%dma_wait3A_169 : memref<128xf32, #tpu.memory_space<vmem>>)
    %dma_wait3A_175 = arith.constant 0 : i32
    %dma_wait3A_176 = arith.constant 0 : i32
    %dma_wait3A_177 = tpu.memref_slice %arg17[%dma_wait3A_176] : memref<512xf32, #tpu.memory_space<vmem>> -> memref<128xf32, #tpu.memory_space<vmem>>
    %dma_wait3A_178 = arith.constant 0 : i32
    %dma_wait3A_179 = tpu.memref_slice %arg13[%dma_wait3A_175, %dma_wait3A_178] : memref<4x128xi32, #tpu.memory_space<vmem>> -> memref<1x128xi32, #tpu.memory_space<vmem>>
    %dma_wait3A_180 = tpu.memref_squeeze %dma_wait3A_179 : memref<1x128xi32, #tpu.memory_space<vmem>> -> memref<128xi32, #tpu.memory_space<vmem>>
    %dma_wait3A_181 = arith.constant 0 : i32
    %dma_wait3A_182 = tpu.memref_slice %arg5[%dma_wait3A_181] : memref<1000000xf32, #tpu.memory_space<hbm>> -> memref<1000000xf32, #tpu.memory_space<hbm>>
    tpu.wait_indirect_dma semaphore(%arg18 : memref<!tpu.dma_semaphore, #tpu.memory_space<semaphore_mem>>) src(%dma_wait3A_182 : memref<1000000xf32, #tpu.memory_space<hbm>>) dst(%dma_wait3A_177 : memref<128xf32, #tpu.memory_space<vmem>>)
    %dma_wait3A_183 = arith.constant 1 : i32
    %dma_wait3A_184 = arith.constant 128 : i32
    %dma_wait3A_185 = arith.constant 0 : i32
    %dma_wait3A_186 = tpu.memref_slice %arg14[%dma_wait3A_184, %dma_wait3A_185] : memref<512x32xf32, #tpu.memory_space<vmem>> -> memref<128x32xf32, #tpu.memory_space<vmem>>
    %dma_wait3A_187 = arith.constant 0 : i32
    %dma_wait3A_188 = tpu.memref_slice %arg12[%dma_wait3A_183, %dma_wait3A_187] : memref<4x128xi32, #tpu.memory_space<vmem>> -> memref<1x128xi32, #tpu.memory_space<vmem>>
    %dma_wait3A_189 = tpu.memref_squeeze %dma_wait3A_188 : memref<1x128xi32, #tpu.memory_space<vmem>> -> memref<128xi32, #tpu.memory_space<vmem>>
    %dma_wait3A_190 = arith.constant 0 : i32
    %dma_wait3A_191 = arith.constant 0 : i32
    %dma_wait3A_192 = tpu.memref_slice %arg2[%dma_wait3A_190, %dma_wait3A_191] : memref<1000000x32xf32, #tpu.memory_space<hbm>> -> memref<1000000x32xf32, #tpu.memory_space<hbm>>
    tpu.wait_indirect_dma semaphore(%arg18 : memref<!tpu.dma_semaphore, #tpu.memory_space<semaphore_mem>>) src(%dma_wait3A_192 : memref<1000000x32xf32, #tpu.memory_space<hbm>>) dst(%dma_wait3A_186 : memref<128x32xf32, #tpu.memory_space<vmem>>)
    %dma_wait3A_193 = arith.constant 1 : i32
    %dma_wait3A_194 = arith.constant 128 : i32
    %dma_wait3A_195 = arith.constant 0 : i32
    %dma_wait3A_196 = tpu.memref_slice %arg15[%dma_wait3A_194, %dma_wait3A_195] : memref<512x32xf32, #tpu.memory_space<vmem>> -> memref<128x32xf32, #tpu.memory_space<vmem>>
    %dma_wait3A_197 = arith.constant 0 : i32
    %dma_wait3A_198 = tpu.memref_slice %arg13[%dma_wait3A_193, %dma_wait3A_197] : memref<4x128xi32, #tpu.memory_space<vmem>> -> memref<1x128xi32, #tpu.memory_space<vmem>>
    %dma_wait3A_199 = tpu.memref_squeeze %dma_wait3A_198 : memref<1x128xi32, #tpu.memory_space<vmem>> -> memref<128xi32, #tpu.memory_space<vmem>>
    %dma_wait3A_200 = arith.constant 0 : i32
    %dma_wait3A_201 = arith.constant 0 : i32
    %dma_wait3A_202 = tpu.memref_slice %arg3[%dma_wait3A_200, %dma_wait3A_201] : memref<1000000x32xf32, #tpu.memory_space<hbm>> -> memref<1000000x32xf32, #tpu.memory_space<hbm>>
    tpu.wait_indirect_dma semaphore(%arg18 : memref<!tpu.dma_semaphore, #tpu.memory_space<semaphore_mem>>) src(%dma_wait3A_202 : memref<1000000x32xf32, #tpu.memory_space<hbm>>) dst(%dma_wait3A_196 : memref<128x32xf32, #tpu.memory_space<vmem>>)
    %dma_wait3A_203 = arith.constant 1 : i32
    %dma_wait3A_204 = arith.constant 128 : i32
    %dma_wait3A_205 = tpu.memref_slice %arg16[%dma_wait3A_204] : memref<512xf32, #tpu.memory_space<vmem>> -> memref<128xf32, #tpu.memory_space<vmem>>
    %dma_wait3A_206 = arith.constant 0 : i32
    %dma_wait3A_207 = tpu.memref_slice %arg12[%dma_wait3A_203, %dma_wait3A_206] : memref<4x128xi32, #tpu.memory_space<vmem>> -> memref<1x128xi32, #tpu.memory_space<vmem>>
    %dma_wait3A_208 = tpu.memref_squeeze %dma_wait3A_207 : memref<1x128xi32, #tpu.memory_space<vmem>> -> memref<128xi32, #tpu.memory_space<vmem>>
    %dma_wait3A_209 = arith.constant 0 : i32
    %dma_wait3A_210 = tpu.memref_slice %arg4[%dma_wait3A_209] : memref<1000000xf32, #tpu.memory_space<hbm>> -> memref<1000000xf32, #tpu.memory_space<hbm>>
    tpu.wait_indirect_dma semaphore(%arg18 : memref<!tpu.dma_semaphore, #tpu.memory_space<semaphore_mem>>) src(%dma_wait3A_210 : memref<1000000xf32, #tpu.memory_space<hbm>>) dst(%dma_wait3A_205 : memref<128xf32, #tpu.memory_space<vmem>>)
    %dma_wait3A_211 = arith.constant 1 : i32
    %dma_wait3A_212 = arith.constant 128 : i32
    %dma_wait3A_213 = tpu.memref_slice %arg17[%dma_wait3A_212] : memref<512xf32, #tpu.memory_space<vmem>> -> memref<128xf32, #tpu.memory_space<vmem>>
    %dma_wait3A_214 = arith.constant 0 : i32
    %dma_wait3A_215 = tpu.memref_slice %arg13[%dma_wait3A_211, %dma_wait3A_214] : memref<4x128xi32, #tpu.memory_space<vmem>> -> memref<1x128xi32, #tpu.memory_space<vmem>>
    %dma_wait3A_216 = tpu.memref_squeeze %dma_wait3A_215 : memref<1x128xi32, #tpu.memory_space<vmem>> -> memref<128xi32, #tpu.memory_space<vmem>>
    %dma_wait3A_217 = arith.constant 0 : i32
    %dma_wait3A_218 = tpu.memref_slice %arg5[%dma_wait3A_217] : memref<1000000xf32, #tpu.memory_space<hbm>> -> memref<1000000xf32, #tpu.memory_space<hbm>>
    tpu.wait_indirect_dma semaphore(%arg18 : memref<!tpu.dma_semaphore, #tpu.memory_space<semaphore_mem>>) src(%dma_wait3A_218 : memref<1000000xf32, #tpu.memory_space<hbm>>) dst(%dma_wait3A_213 : memref<128xf32, #tpu.memory_space<vmem>>)
    %dma_wait3A_219 = arith.constant 2 : i32
    %dma_wait3A_220 = arith.constant 256 : i32
    %dma_wait3A_221 = arith.constant 0 : i32
    %dma_wait3A_222 = tpu.memref_slice %arg14[%dma_wait3A_220, %dma_wait3A_221] : memref<512x32xf32, #tpu.memory_space<vmem>> -> memref<128x32xf32, #tpu.memory_space<vmem>>
    %dma_wait3A_223 = arith.constant 0 : i32
    %dma_wait3A_224 = tpu.memref_slice %arg12[%dma_wait3A_219, %dma_wait3A_223] : memref<4x128xi32, #tpu.memory_space<vmem>> -> memref<1x128xi32, #tpu.memory_space<vmem>>
    %dma_wait3A_225 = tpu.memref_squeeze %dma_wait3A_224 : memref<1x128xi32, #tpu.memory_space<vmem>> -> memref<128xi32, #tpu.memory_space<vmem>>
    %dma_wait3A_226 = arith.constant 0 : i32
    %dma_wait3A_227 = arith.constant 0 : i32
    %dma_wait3A_228 = tpu.memref_slice %arg2[%dma_wait3A_226, %dma_wait3A_227] : memref<1000000x32xf32, #tpu.memory_space<hbm>> -> memref<1000000x32xf32, #tpu.memory_space<hbm>>
    tpu.wait_indirect_dma semaphore(%arg18 : memref<!tpu.dma_semaphore, #tpu.memory_space<semaphore_mem>>) src(%dma_wait3A_228 : memref<1000000x32xf32, #tpu.memory_space<hbm>>) dst(%dma_wait3A_222 : memref<128x32xf32, #tpu.memory_space<vmem>>)
    %dma_wait3A_229 = arith.constant 2 : i32
    %dma_wait3A_230 = arith.constant 256 : i32
    %dma_wait3A_231 = arith.constant 0 : i32
    %dma_wait3A_232 = tpu.memref_slice %arg15[%dma_wait3A_230, %dma_wait3A_231] : memref<512x32xf32, #tpu.memory_space<vmem>> -> memref<128x32xf32, #tpu.memory_space<vmem>>
    %dma_wait3A_233 = arith.constant 0 : i32
    %dma_wait3A_234 = tpu.memref_slice %arg13[%dma_wait3A_229, %dma_wait3A_233] : memref<4x128xi32, #tpu.memory_space<vmem>> -> memref<1x128xi32, #tpu.memory_space<vmem>>
    %dma_wait3A_235 = tpu.memref_squeeze %dma_wait3A_234 : memref<1x128xi32, #tpu.memory_space<vmem>> -> memref<128xi32, #tpu.memory_space<vmem>>
    %dma_wait3A_236 = arith.constant 0 : i32
    %dma_wait3A_237 = arith.constant 0 : i32
    %dma_wait3A_238 = tpu.memref_slice %arg3[%dma_wait3A_236, %dma_wait3A_237] : memref<1000000x32xf32, #tpu.memory_space<hbm>> -> memref<1000000x32xf32, #tpu.memory_space<hbm>>
    tpu.wait_indirect_dma semaphore(%arg18 : memref<!tpu.dma_semaphore, #tpu.memory_space<semaphore_mem>>) src(%dma_wait3A_238 : memref<1000000x32xf32, #tpu.memory_space<hbm>>) dst(%dma_wait3A_232 : memref<128x32xf32, #tpu.memory_space<vmem>>)
    %dma_wait3A_239 = arith.constant 2 : i32
    %dma_wait3A_240 = arith.constant 256 : i32
    %dma_wait3A_241 = tpu.memref_slice %arg16[%dma_wait3A_240] : memref<512xf32, #tpu.memory_space<vmem>> -> memref<128xf32, #tpu.memory_space<vmem>>
    %dma_wait3A_242 = arith.constant 0 : i32
    %dma_wait3A_243 = tpu.memref_slice %arg12[%dma_wait3A_239, %dma_wait3A_242] : memref<4x128xi32, #tpu.memory_space<vmem>> -> memref<1x128xi32, #tpu.memory_space<vmem>>
    %dma_wait3A_244 = tpu.memref_squeeze %dma_wait3A_243 : memref<1x128xi32, #tpu.memory_space<vmem>> -> memref<128xi32, #tpu.memory_space<vmem>>
    %dma_wait3A_245 = arith.constant 0 : i32
    %dma_wait3A_246 = tpu.memref_slice %arg4[%dma_wait3A_245] : memref<1000000xf32, #tpu.memory_space<hbm>> -> memref<1000000xf32, #tpu.memory_space<hbm>>
    tpu.wait_indirect_dma semaphore(%arg18 : memref<!tpu.dma_semaphore, #tpu.memory_space<semaphore_mem>>) src(%dma_wait3A_246 : memref<1000000xf32, #tpu.memory_space<hbm>>) dst(%dma_wait3A_241 : memref<128xf32, #tpu.memory_space<vmem>>)
    %dma_wait3A_247 = arith.constant 2 : i32
    %dma_wait3A_248 = arith.constant 256 : i32
    %dma_wait3A_249 = tpu.memref_slice %arg17[%dma_wait3A_248] : memref<512xf32, #tpu.memory_space<vmem>> -> memref<128xf32, #tpu.memory_space<vmem>>
    %dma_wait3A_250 = arith.constant 0 : i32
    %dma_wait3A_251 = tpu.memref_slice %arg13[%dma_wait3A_247, %dma_wait3A_250] : memref<4x128xi32, #tpu.memory_space<vmem>> -> memref<1x128xi32, #tpu.memory_space<vmem>>
    %dma_wait3A_252 = tpu.memref_squeeze %dma_wait3A_251 : memref<1x128xi32, #tpu.memory_space<vmem>> -> memref<128xi32, #tpu.memory_space<vmem>>
    %dma_wait3A_253 = arith.constant 0 : i32
    %dma_wait3A_254 = tpu.memref_slice %arg5[%dma_wait3A_253] : memref<1000000xf32, #tpu.memory_space<hbm>> -> memref<1000000xf32, #tpu.memory_space<hbm>>
    tpu.wait_indirect_dma semaphore(%arg18 : memref<!tpu.dma_semaphore, #tpu.memory_space<semaphore_mem>>) src(%dma_wait3A_254 : memref<1000000xf32, #tpu.memory_space<hbm>>) dst(%dma_wait3A_249 : memref<128xf32, #tpu.memory_space<vmem>>)
    %dma_wait3A_255 = arith.constant 3 : i32
    %dma_wait3A_256 = arith.constant 384 : i32
    %dma_wait3A_257 = arith.constant 0 : i32
    %dma_wait3A_258 = tpu.memref_slice %arg14[%dma_wait3A_256, %dma_wait3A_257] : memref<512x32xf32, #tpu.memory_space<vmem>> -> memref<128x32xf32, #tpu.memory_space<vmem>>
    %dma_wait3A_259 = arith.constant 0 : i32
    %dma_wait3A_260 = tpu.memref_slice %arg12[%dma_wait3A_255, %dma_wait3A_259] : memref<4x128xi32, #tpu.memory_space<vmem>> -> memref<1x128xi32, #tpu.memory_space<vmem>>
    %dma_wait3A_261 = tpu.memref_squeeze %dma_wait3A_260 : memref<1x128xi32, #tpu.memory_space<vmem>> -> memref<128xi32, #tpu.memory_space<vmem>>
    %dma_wait3A_262 = arith.constant 0 : i32
    %dma_wait3A_263 = arith.constant 0 : i32
    %dma_wait3A_264 = tpu.memref_slice %arg2[%dma_wait3A_262, %dma_wait3A_263] : memref<1000000x32xf32, #tpu.memory_space<hbm>> -> memref<1000000x32xf32, #tpu.memory_space<hbm>>
    tpu.wait_indirect_dma semaphore(%arg18 : memref<!tpu.dma_semaphore, #tpu.memory_space<semaphore_mem>>) src(%dma_wait3A_264 : memref<1000000x32xf32, #tpu.memory_space<hbm>>) dst(%dma_wait3A_258 : memref<128x32xf32, #tpu.memory_space<vmem>>)
    %dma_wait3A_265 = arith.constant 3 : i32
    %dma_wait3A_266 = arith.constant 384 : i32
    %dma_wait3A_267 = arith.constant 0 : i32
    %dma_wait3A_268 = tpu.memref_slice %arg15[%dma_wait3A_266, %dma_wait3A_267] : memref<512x32xf32, #tpu.memory_space<vmem>> -> memref<128x32xf32, #tpu.memory_space<vmem>>
    %dma_wait3A_269 = arith.constant 0 : i32
    %dma_wait3A_270 = tpu.memref_slice %arg13[%dma_wait3A_265, %dma_wait3A_269] : memref<4x128xi32, #tpu.memory_space<vmem>> -> memref<1x128xi32, #tpu.memory_space<vmem>>
    %dma_wait3A_271 = tpu.memref_squeeze %dma_wait3A_270 : memref<1x128xi32, #tpu.memory_space<vmem>> -> memref<128xi32, #tpu.memory_space<vmem>>
    %dma_wait3A_272 = arith.constant 0 : i32
    %dma_wait3A_273 = arith.constant 0 : i32
    %dma_wait3A_274 = tpu.memref_slice %arg3[%dma_wait3A_272, %dma_wait3A_273] : memref<1000000x32xf32, #tpu.memory_space<hbm>> -> memref<1000000x32xf32, #tpu.memory_space<hbm>>
    tpu.wait_indirect_dma semaphore(%arg18 : memref<!tpu.dma_semaphore, #tpu.memory_space<semaphore_mem>>) src(%dma_wait3A_274 : memref<1000000x32xf32, #tpu.memory_space<hbm>>) dst(%dma_wait3A_268 : memref<128x32xf32, #tpu.memory_space<vmem>>)
    %dma_wait3A_275 = arith.constant 3 : i32
    %dma_wait3A_276 = arith.constant 384 : i32
    %dma_wait3A_277 = tpu.memref_slice %arg16[%dma_wait3A_276] : memref<512xf32, #tpu.memory_space<vmem>> -> memref<128xf32, #tpu.memory_space<vmem>>
    %dma_wait3A_278 = arith.constant 0 : i32
    %dma_wait3A_279 = tpu.memref_slice %arg12[%dma_wait3A_275, %dma_wait3A_278] : memref<4x128xi32, #tpu.memory_space<vmem>> -> memref<1x128xi32, #tpu.memory_space<vmem>>
    %dma_wait3A_280 = tpu.memref_squeeze %dma_wait3A_279 : memref<1x128xi32, #tpu.memory_space<vmem>> -> memref<128xi32, #tpu.memory_space<vmem>>
    %dma_wait3A_281 = arith.constant 0 : i32
    %dma_wait3A_282 = tpu.memref_slice %arg4[%dma_wait3A_281] : memref<1000000xf32, #tpu.memory_space<hbm>> -> memref<1000000xf32, #tpu.memory_space<hbm>>
    tpu.wait_indirect_dma semaphore(%arg18 : memref<!tpu.dma_semaphore, #tpu.memory_space<semaphore_mem>>) src(%dma_wait3A_282 : memref<1000000xf32, #tpu.memory_space<hbm>>) dst(%dma_wait3A_277 : memref<128xf32, #tpu.memory_space<vmem>>)
    %dma_wait3A_283 = arith.constant 3 : i32
    %dma_wait3A_284 = arith.constant 384 : i32
    %dma_wait3A_285 = tpu.memref_slice %arg17[%dma_wait3A_284] : memref<512xf32, #tpu.memory_space<vmem>> -> memref<128xf32, #tpu.memory_space<vmem>>
    %dma_wait3A_286 = arith.constant 0 : i32
    %dma_wait3A_287 = tpu.memref_slice %arg13[%dma_wait3A_283, %dma_wait3A_286] : memref<4x128xi32, #tpu.memory_space<vmem>> -> memref<1x128xi32, #tpu.memory_space<vmem>>
    %dma_wait3A_288 = tpu.memref_squeeze %dma_wait3A_287 : memref<1x128xi32, #tpu.memory_space<vmem>> -> memref<128xi32, #tpu.memory_space<vmem>>
    %dma_wait3A_289 = arith.constant 0 : i32
    %dma_wait3A_290 = tpu.memref_slice %arg5[%dma_wait3A_289] : memref<1000000xf32, #tpu.memory_space<hbm>> -> memref<1000000xf32, #tpu.memory_space<hbm>>
    tpu.wait_indirect_dma semaphore(%arg18 : memref<!tpu.dma_semaphore, #tpu.memory_space<semaphore_mem>>) src(%dma_wait3A_290 : memref<1000000xf32, #tpu.memory_space<hbm>>) dst(%dma_wait3A_285 : memref<128xf32, #tpu.memory_space<vmem>>)
    "tpu.region"() ({
      %run_scoped3A = tpu.sem_alloc : memref<!tpu.dma_semaphore, #tpu.memory_space<semaphore_mem>>
      %dma_start3A_291 = arith.constant 0 : i32
      %dma_start3A_292 = tpu.memref_slice %arg8[%mul3A_2, %dma_start3A_291] : memref<16384x32xf32, #tpu.memory_space<hbm>> -> memref<512x32xf32, #tpu.memory_space<hbm>>
      %dma_start3A_293 = arith.constant 0 : i32
      %dma_start3A_294 = tpu.memref_slice %arg8[%mul3A_2, %dma_start3A_293] : memref<16384x32xf32, #tpu.memory_space<hbm>> -> memref<512x32xf32, #tpu.memory_space<hbm>>
      tpu.enqueue_dma source(%arg14 : memref<512x32xf32, #tpu.memory_space<vmem>>) target(%dma_start3A_294 : memref<512x32xf32, #tpu.memory_space<hbm>>) target_semaphore(%run_scoped3A : memref<!tpu.dma_semaphore, #tpu.memory_space<semaphore_mem>>)
      %dma_wait3A_295 = arith.constant 0 : i32
      %dma_wait3A_296 = tpu.memref_slice %arg8[%mul3A_2, %dma_wait3A_295] : memref<16384x32xf32, #tpu.memory_space<hbm>> -> memref<512x32xf32, #tpu.memory_space<hbm>>
      %dma_wait3A_297 = arith.constant 0 : i32
      %dma_wait3A_298 = tpu.memref_slice %arg8[%mul3A_2, %dma_wait3A_297] : memref<16384x32xf32, #tpu.memory_space<hbm>> -> memref<512x32xf32, #tpu.memory_space<hbm>>
      tpu.wait_dma2 semaphore(%run_scoped3A : memref<!tpu.dma_semaphore, #tpu.memory_space<semaphore_mem>>) src(%arg14 : memref<512x32xf32, #tpu.memory_space<vmem>>) dst(%dma_wait3A_298 : memref<512x32xf32, #tpu.memory_space<hbm>>)
      tpu.yield
    }) : () -> ()
    "tpu.region"() ({
      %run_scoped3A = tpu.sem_alloc : memref<!tpu.dma_semaphore, #tpu.memory_space<semaphore_mem>>
      %dma_start3A_291 = arith.constant 0 : i32
      %dma_start3A_292 = tpu.memref_slice %arg9[%mul3A_2, %dma_start3A_291] : memref<16384x32xf32, #tpu.memory_space<hbm>> -> memref<512x32xf32, #tpu.memory_space<hbm>>
      %dma_start3A_293 = arith.constant 0 : i32
      %dma_start3A_294 = tpu.memref_slice %arg9[%mul3A_2, %dma_start3A_293] : memref<16384x32xf32, #tpu.memory_space<hbm>> -> memref<512x32xf32, #tpu.memory_space<hbm>>
      tpu.enqueue_dma source(%arg15 : memref<512x32xf32, #tpu.memory_space<vmem>>) target(%dma_start3A_294 : memref<512x32xf32, #tpu.memory_space<hbm>>) target_semaphore(%run_scoped3A : memref<!tpu.dma_semaphore, #tpu.memory_space<semaphore_mem>>)
      %dma_wait3A_295 = arith.constant 0 : i32
      %dma_wait3A_296 = tpu.memref_slice %arg9[%mul3A_2, %dma_wait3A_295] : memref<16384x32xf32, #tpu.memory_space<hbm>> -> memref<512x32xf32, #tpu.memory_space<hbm>>
      %dma_wait3A_297 = arith.constant 0 : i32
      %dma_wait3A_298 = tpu.memref_slice %arg9[%mul3A_2, %dma_wait3A_297] : memref<16384x32xf32, #tpu.memory_space<hbm>> -> memref<512x32xf32, #tpu.memory_space<hbm>>
      tpu.wait_dma2 semaphore(%run_scoped3A : memref<!tpu.dma_semaphore, #tpu.memory_space<semaphore_mem>>) src(%arg15 : memref<512x32xf32, #tpu.memory_space<vmem>>) dst(%dma_wait3A_298 : memref<512x32xf32, #tpu.memory_space<hbm>>)
      tpu.yield
    }) : () -> ()
    "tpu.region"() ({
      %run_scoped3A = tpu.sem_alloc : memref<!tpu.dma_semaphore, #tpu.memory_space<semaphore_mem>>
      %dma_start3A_291 = tpu.memref_slice %arg10[%mul3A_2] : memref<16384xf32, #tpu.memory_space<hbm>> -> memref<512xf32, #tpu.memory_space<hbm>>
      %dma_start3A_292 = tpu.memref_slice %arg10[%mul3A_2] : memref<16384xf32, #tpu.memory_space<hbm>> -> memref<512xf32, #tpu.memory_space<hbm>>
      tpu.enqueue_dma source(%arg16 : memref<512xf32, #tpu.memory_space<vmem>>) target(%dma_start3A_292 : memref<512xf32, #tpu.memory_space<hbm>>) target_semaphore(%run_scoped3A : memref<!tpu.dma_semaphore, #tpu.memory_space<semaphore_mem>>)
      %dma_wait3A_293 = tpu.memref_slice %arg10[%mul3A_2] : memref<16384xf32, #tpu.memory_space<hbm>> -> memref<512xf32, #tpu.memory_space<hbm>>
      %dma_wait3A_294 = tpu.memref_slice %arg10[%mul3A_2] : memref<16384xf32, #tpu.memory_space<hbm>> -> memref<512xf32, #tpu.memory_space<hbm>>
      tpu.wait_dma2 semaphore(%run_scoped3A : memref<!tpu.dma_semaphore, #tpu.memory_space<semaphore_mem>>) src(%arg16 : memref<512xf32, #tpu.memory_space<vmem>>) dst(%dma_wait3A_294 : memref<512xf32, #tpu.memory_space<hbm>>)
      tpu.yield
    }) : () -> ()
    "tpu.region"() ({
      %run_scoped3A = tpu.sem_alloc : memref<!tpu.dma_semaphore, #tpu.memory_space<semaphore_mem>>
      %dma_start3A_291 = tpu.memref_slice %arg11[%mul3A_2] : memref<16384xf32, #tpu.memory_space<hbm>> -> memref<512xf32, #tpu.memory_space<hbm>>
      %dma_start3A_292 = tpu.memref_slice %arg11[%mul3A_2] : memref<16384xf32, #tpu.memory_space<hbm>> -> memref<512xf32, #tpu.memory_space<hbm>>
      tpu.enqueue_dma source(%arg17 : memref<512xf32, #tpu.memory_space<vmem>>) target(%dma_start3A_292 : memref<512xf32, #tpu.memory_space<hbm>>) target_semaphore(%run_scoped3A : memref<!tpu.dma_semaphore, #tpu.memory_space<semaphore_mem>>)
      %dma_wait3A_293 = tpu.memref_slice %arg11[%mul3A_2] : memref<16384xf32, #tpu.memory_space<hbm>> -> memref<512xf32, #tpu.memory_space<hbm>>
      %dma_wait3A_294 = tpu.memref_slice %arg11[%mul3A_2] : memref<16384xf32, #tpu.memory_space<hbm>> -> memref<512xf32, #tpu.memory_space<hbm>>
      tpu.wait_dma2 semaphore(%run_scoped3A : memref<!tpu.dma_semaphore, #tpu.memory_space<semaphore_mem>>) src(%arg17 : memref<512xf32, #tpu.memory_space<vmem>>) dst(%dma_wait3A_294 : memref<512xf32, #tpu.memory_space<hbm>>)
      tpu.yield
    }) : () -> ()
    return
  }
}

module attributes {stable_mosaic.version = 14 : i64} {
  func.func @_tc_body(%arg0: i32, %arg1: memref<2048x4xi32, #tpu.memory_space<vmem>>, %arg2: memref<2048xf32, #tpu.memory_space<vmem>>, %arg3: memref<2048xf32, #tpu.memory_space<vmem>>, %arg4: memref<2048x32xf32, #tpu.memory_space<vmem>>, %arg5: memref<2048x32xf32, #tpu.memory_space<vmem>>, %arg6: memref<1xf32, #tpu.memory_space<smem>>, %arg7: memref<4x64xf32, #tpu.memory_space<vmem>>, %arg8: memref<64x4xbf16, #tpu.memory_space<vmem>>, %arg9: memref<1x4xf32, #tpu.memory_space<vmem>>, %arg10: memref<64x128xbf16, #tpu.memory_space<vmem>>, %arg11: memref<1x128xf32, #tpu.memory_space<vmem>>, %arg12: memref<128x4xf32, #tpu.memory_space<vmem>>, %arg13: memref<4x128xf32, #tpu.memory_space<vmem>>, %arg14: memref<128x32xf32, #tpu.memory_space<vmem>>, %arg15: memref<2048xf32, #tpu.memory_space<vmem>>) attributes {dimension_semantics = [#tpu.dimension_semantics<arbitrary>], iteration_bounds = array<i64: 8>, scalar_prefetch = 0 : i64, scratch_operands = 0 : i64, tpu.core_type = #tpu.core_type<tc>, window_params = [{transform_indices = @transform_0, window_bounds = array<i64: 2048, 4>}, {transform_indices = @transform_1, window_bounds = array<i64: 2048>}, {transform_indices = @transform_2, window_bounds = array<i64: 2048>}, {transform_indices = @transform_3, window_bounds = array<i64: 2048, 32>}, {transform_indices = @transform_4, window_bounds = array<i64: 2048, 32>}, {transform_indices = @transform_5, window_bounds = array<i64: 1>}, {pipeline_mode = #tpu.pipeline_mode<synchronous>, transform_indices = @transform_6, window_bounds = array<i64: 4, 64>}, {pipeline_mode = #tpu.pipeline_mode<synchronous>, transform_indices = @transform_7, window_bounds = array<i64: 64, 4>}, {pipeline_mode = #tpu.pipeline_mode<synchronous>, transform_indices = @transform_8, window_bounds = array<i64: 1, 4>}, {pipeline_mode = #tpu.pipeline_mode<synchronous>, transform_indices = @transform_9, window_bounds = array<i64: 64, 128>}, {pipeline_mode = #tpu.pipeline_mode<synchronous>, transform_indices = @transform_10, window_bounds = array<i64: 1, 128>}, {pipeline_mode = #tpu.pipeline_mode<synchronous>, transform_indices = @transform_11, window_bounds = array<i64: 128, 4>}, {pipeline_mode = #tpu.pipeline_mode<synchronous>, transform_indices = @transform_12, window_bounds = array<i64: 4, 128>}, {pipeline_mode = #tpu.pipeline_mode<synchronous>, transform_indices = @transform_13, window_bounds = array<i64: 128, 32>}, {transform_indices = @transform_14, window_bounds = array<i64: 2048>}]} {
    %get3A = arith.constant 0 : index
    %get3A_0 = arith.constant 0 : index
    %get3A_1 = vector.load %arg1[%get3A, %get3A_0] : memref<2048x4xi32, #tpu.memory_space<vmem>>, vector<2048x4xi32>
    %convert_element_type3A = arith.sitofp %get3A_1 : vector<2048x4xi32> to vector<2048x4xf32>
    %get3A_2 = arith.constant 0 : index
    %get3A_3 = arith.constant 0 : index
    %get3A_4 = vector.load %arg7[%get3A_2, %get3A_3] : memref<4x64xf32, #tpu.memory_space<vmem>>, vector<4x64xf32>
    %dot_general3A = arith.constant dense<0.000000e+00> : vector<2048x64xf32>
    %dot_general3A_5 = tpu.matmul %convert_element_type3A, %get3A_4, %dot_general3A {dimension_numbers = #tpu.dot_dimension_numbers<[1], [0], [0], [1], [0, 0, 1, 1], [], []>, precision = #tpu.contract_precision<fp32>, transpose_lhs_hint = false} : vector<2048x4xf32>, vector<4x64xf32>, vector<2048x64xf32> -> vector<2048x64xf32>
    %convert_element_type3A_6 = arith.fptosi %dot_general3A_5 : vector<2048x64xf32> to vector<2048x64xi32>
    %iota3A = tpu.iota {dimensions = array<i32: 1>} : vector<2048x64xi32>
    %and3A = arith.constant 15 : i32
    %and3A_7 = vector.broadcast %and3A : i32 to vector<2048x64xi32>
    %and3A_8 = arith.andi %iota3A, %and3A_7 : vector<2048x64xi32>
    %sub3A = arith.constant 15 : i32
    %sub3A_9 = vector.broadcast %sub3A : i32 to vector<2048x64xi32>
    %sub3A_10 = arith.subi %sub3A_9, %and3A_8 : vector<2048x64xi32>
    %shift_left3A = arith.constant 1 : i32
    %shift_left3A_11 = vector.broadcast %shift_left3A : i32 to vector<2048x64xi32>
    %shift_left3A_12 = arith.shli %shift_left3A_11, %sub3A_10 : vector<2048x64xi32>
    %and3A_13 = arith.andi %convert_element_type3A_6, %shift_left3A_12 : vector<2048x64xi32>
    %ne3A = arith.constant 0 : i32
    %ne3A_14 = vector.broadcast %ne3A : i32 to vector<2048x64xi32>
    %ne3A_15 = arith.cmpi ne, %and3A_13, %ne3A_14 : vector<2048x64xi32>
    %convert_element_type3A_16 = arith.extui %ne3A_15 : vector<2048x64xi1> to vector<2048x64xi32>
    %convert_element_type3A_17 = arith.sitofp %convert_element_type3A_16 : vector<2048x64xi32> to vector<2048x64xf32>
    %convert_element_type3A_18 = arith.truncf %convert_element_type3A_17 : vector<2048x64xf32> to vector<2048x64xbf16>
    %get3A_19 = arith.constant 0 : index
    %get3A_20 = arith.constant 0 : index
    %get3A_21 = vector.load %arg10[%get3A_19, %get3A_20] : memref<64x128xbf16, #tpu.memory_space<vmem>>, vector<64x128xbf16>
    %dot_general3A_22 = arith.constant dense<0.000000e+00> : vector<2048x128xf32>
    %dot_general3A_23 = tpu.matmul %convert_element_type3A_18, %get3A_21, %dot_general3A_22 {dimension_numbers = #tpu.dot_dimension_numbers<[1], [0], [0], [1], [0, 0, 1, 1], [], []>, transpose_lhs_hint = false} : vector<2048x64xbf16>, vector<64x128xbf16>, vector<2048x128xf32> -> vector<2048x128xf32>
    %get3A_24 = arith.constant 0 : index
    %get3A_25 = arith.constant 0 : index
    %get3A_26 = vector.load %arg11[%get3A_24, %get3A_25] : memref<1x128xf32, #tpu.memory_space<vmem>>, vector<1x128xf32>
    %add3A = vector.broadcast %get3A_26 : vector<1x128xf32> to vector<2048x128xf32>
    %add3A_27 = arith.addf %dot_general3A_23, %add3A : vector<2048x128xf32>
    %mul3A = arith.mulf %add3A_27, %add3A_27 : vector<2048x128xf32>
    %get3A_28 = arith.constant 0 : index
    %get3A_29 = arith.constant 0 : index
    %get3A_30 = vector.load %arg12[%get3A_28, %get3A_29] : memref<128x4xf32, #tpu.memory_space<vmem>>, vector<128x4xf32>
    %dot_general3A_31 = arith.constant dense<0.000000e+00> : vector<2048x4xf32>
    %dot_general3A_32 = tpu.matmul %mul3A, %get3A_30, %dot_general3A_31 {dimension_numbers = #tpu.dot_dimension_numbers<[1], [0], [0], [1], [0, 0, 1, 1], [], []>, precision = #tpu.contract_precision<fp32>, transpose_lhs_hint = false} : vector<2048x128xf32>, vector<128x4xf32>, vector<2048x4xf32> -> vector<2048x4xf32>
    %sqrt3A = math.sqrt %dot_general3A_32 : vector<2048x4xf32>
    %max3A = arith.constant 9.99999996E-13 : f32
    %max3A_33 = vector.broadcast %max3A : f32 to vector<2048x4xf32>
    %max3A_34 = arith.maximumf %sqrt3A, %max3A_33 : vector<2048x4xf32>
    %div3A = arith.constant 1.000000e+00 : f32
    %div3A_35 = vector.broadcast %div3A : f32 to vector<2048x4xf32>
    %div3A_36 = arith.divf %div3A_35, %max3A_34 : vector<2048x4xf32>
    %get3A_37 = arith.constant 0 : index
    %get3A_38 = arith.constant 0 : index
    %get3A_39 = vector.load %arg13[%get3A_37, %get3A_38] : memref<4x128xf32, #tpu.memory_space<vmem>>, vector<4x128xf32>
    %dot_general3A_40 = arith.constant dense<0.000000e+00> : vector<2048x128xf32>
    %dot_general3A_41 = tpu.matmul %div3A_36, %get3A_39, %dot_general3A_40 {dimension_numbers = #tpu.dot_dimension_numbers<[1], [0], [0], [1], [0, 0, 1, 1], [], []>, precision = #tpu.contract_precision<fp32>, transpose_lhs_hint = false} : vector<2048x4xf32>, vector<4x128xf32>, vector<2048x128xf32> -> vector<2048x128xf32>
    %mul3A_42 = arith.mulf %add3A_27, %dot_general3A_41 : vector<2048x128xf32>
    %get3A_43 = arith.constant 0 : index
    %get3A_44 = arith.constant 0 : index
    %get3A_45 = vector.load %arg8[%get3A_43, %get3A_44] : memref<64x4xbf16, #tpu.memory_space<vmem>>, vector<64x4xbf16>
    %dot_general3A_46 = arith.constant dense<0.000000e+00> : vector<2048x4xf32>
    %dot_general3A_47 = tpu.matmul %convert_element_type3A_18, %get3A_45, %dot_general3A_46 {dimension_numbers = #tpu.dot_dimension_numbers<[1], [0], [0], [1], [0, 0, 1, 1], [], []>, transpose_lhs_hint = false} : vector<2048x64xbf16>, vector<64x4xbf16>, vector<2048x4xf32> -> vector<2048x4xf32>
    %get3A_48 = arith.constant 0 : index
    %get3A_49 = arith.constant 0 : index
    %get3A_50 = vector.load %arg9[%get3A_48, %get3A_49] : memref<1x4xf32, #tpu.memory_space<vmem>>, vector<1x4xf32>
    %add3A_51 = vector.broadcast %get3A_50 : vector<1x4xf32> to vector<2048x4xf32>
    %add3A_52 = arith.addf %dot_general3A_47, %add3A_51 : vector<2048x4xf32>
    %abs3A = math.absf %add3A_52 : vector<2048x4xf32>
    %max3A_53 = arith.constant 9.99999996E-13 : f32
    %max3A_54 = vector.broadcast %max3A_53 : f32 to vector<2048x4xf32>
    %max3A_55 = arith.maximumf %abs3A, %max3A_54 : vector<2048x4xf32>
    %div3A_56 = arith.divf %add3A_52, %max3A_55 : vector<2048x4xf32>
    %reduce_sum3A = arith.constant dense<0.000000e+00> : vector<2048xf32>
    %reduce_sum3A_57 = vector.multi_reduction <add>, %div3A_56, %reduce_sum3A [1] : vector<2048x4xf32> to vector<2048xf32>
    %get3A_58 = arith.constant 0 : index
    %get3A_59 = arith.constant 0 : index
    %get3A_60 = vector.load %arg14[%get3A_58, %get3A_59] : memref<128x32xf32, #tpu.memory_space<vmem>>, vector<128x32xf32>
    %dot_general3A_61 = arith.constant dense<0.000000e+00> : vector<2048x32xf32>
    %dot_general3A_62 = tpu.matmul %mul3A_42, %get3A_60, %dot_general3A_61 {dimension_numbers = #tpu.dot_dimension_numbers<[1], [0], [0], [1], [0, 0, 1, 1], [], []>, precision = #tpu.contract_precision<fp32>, transpose_lhs_hint = false} : vector<2048x128xf32>, vector<128x32xf32>, vector<2048x32xf32> -> vector<2048x32xf32>
    %get3A_63 = arith.constant 0 : index
    %get3A_64 = arith.constant 0 : index
    %get3A_65 = vector.load %arg4[%get3A_63, %get3A_64] : memref<2048x32xf32, #tpu.memory_space<vmem>>, vector<2048x32xf32>
    %get3A_66 = arith.constant 0 : index
    %get3A_67 = arith.constant 0 : index
    %get3A_68 = vector.load %arg5[%get3A_66, %get3A_67] : memref<2048x32xf32, #tpu.memory_space<vmem>>, vector<2048x32xf32>
    %add3A_69 = arith.addf %get3A_65, %get3A_68 : vector<2048x32xf32>
    %add3A_70 = arith.addf %add3A_69, %dot_general3A_62 : vector<2048x32xf32>
    %mul3A_71 = arith.mulf %add3A_70, %add3A_70 : vector<2048x32xf32>
    %reduce_sum3A_72 = arith.constant dense<0.000000e+00> : vector<2048xf32>
    %reduce_sum3A_73 = vector.multi_reduction <add>, %mul3A_71, %reduce_sum3A_72 [1] : vector<2048x32xf32> to vector<2048xf32>
    %mul3A_74 = arith.mulf %get3A_65, %get3A_65 : vector<2048x32xf32>
    %reduce_sum3A_75 = arith.constant dense<0.000000e+00> : vector<2048xf32>
    %reduce_sum3A_76 = vector.multi_reduction <add>, %mul3A_74, %reduce_sum3A_75 [1] : vector<2048x32xf32> to vector<2048xf32>
    %mul3A_77 = arith.mulf %get3A_68, %get3A_68 : vector<2048x32xf32>
    %reduce_sum3A_78 = arith.constant dense<0.000000e+00> : vector<2048xf32>
    %reduce_sum3A_79 = vector.multi_reduction <add>, %mul3A_77, %reduce_sum3A_78 [1] : vector<2048x32xf32> to vector<2048xf32>
    %add3A_80 = arith.addf %reduce_sum3A_76, %reduce_sum3A_79 : vector<2048xf32>
    %mul3A_81 = arith.mulf %mul3A_42, %mul3A_42 : vector<2048x128xf32>
    %reduce_sum3A_82 = arith.constant dense<0.000000e+00> : vector<2048xf32>
    %reduce_sum3A_83 = vector.multi_reduction <add>, %mul3A_81, %reduce_sum3A_82 [1] : vector<2048x128xf32> to vector<2048xf32>
    %add3A_84 = arith.addf %add3A_80, %reduce_sum3A_83 : vector<2048xf32>
    %sub3A_85 = arith.subf %reduce_sum3A_73, %add3A_84 : vector<2048xf32>
    %mul3A_86 = arith.constant 5.000000e-01 : f32
    %mul3A_87 = vector.broadcast %mul3A_86 : f32 to vector<2048xf32>
    %mul3A_88 = arith.mulf %mul3A_87, %sub3A_85 : vector<2048xf32>
    %get3A_89 = arith.constant 0 : index
    %get3A_90 = memref.load %arg6[%get3A_89] : memref<1xf32, #tpu.memory_space<smem>>
    %get3A_91 = arith.constant 0 : index
    %get3A_92 = vector.load %arg2[%get3A_91] : memref<2048xf32, #tpu.memory_space<vmem>>, vector<2048xf32>
    %add3A_93 = vector.broadcast %get3A_90 : f32 to vector<2048xf32>
    %add3A_94 = arith.addf %add3A_93, %get3A_92 : vector<2048xf32>
    %get3A_95 = arith.constant 0 : index
    %get3A_96 = vector.load %arg3[%get3A_95] : memref<2048xf32, #tpu.memory_space<vmem>>, vector<2048xf32>
    %add3A_97 = arith.addf %add3A_94, %get3A_96 : vector<2048xf32>
    %add3A_98 = arith.addf %add3A_97, %reduce_sum3A_57 : vector<2048xf32>
    %add3A_99 = arith.addf %add3A_98, %mul3A_88 : vector<2048xf32>
    %swap3A = arith.constant 0 : index
    %swap3A_100 = vector.load %arg15[%swap3A] : memref<2048xf32, #tpu.memory_space<vmem>>, vector<2048xf32>
    tpu.vector_store %arg15[%swap3A], %add3A_99 {strides = array<i32>} : memref<2048xf32, #tpu.memory_space<vmem>>, vector<2048xf32>,
    return
  }
  func.func @transform_0(%arg0: i32) -> (i32, i32) {
    %c0_i32 = arith.constant 0 : i32
    %c0_i32_0 = arith.constant 0 : i32
    return %arg0, %c0_i32 : i32, i32
  }
  func.func @transform_1(%arg0: i32) -> i32 {
    %c0_i32 = arith.constant 0 : i32
    return %arg0 : i32
  }
  func.func @transform_2(%arg0: i32) -> i32 {
    %c0_i32 = arith.constant 0 : i32
    return %arg0 : i32
  }
  func.func @transform_3(%arg0: i32) -> (i32, i32) {
    %c0_i32 = arith.constant 0 : i32
    %c0_i32_0 = arith.constant 0 : i32
    return %arg0, %c0_i32 : i32, i32
  }
  func.func @transform_4(%arg0: i32) -> (i32, i32) {
    %c0_i32 = arith.constant 0 : i32
    %c0_i32_0 = arith.constant 0 : i32
    return %arg0, %c0_i32 : i32, i32
  }
  func.func @transform_5(%arg0: i32) -> i32 {
    %c0_i32 = arith.constant 0 : i32
    %c0_i32_0 = arith.constant 0 : i32
    return %c0_i32 : i32
  }
  func.func @transform_6(%arg0: i32) -> (i32, i32) {
    %c0_i32 = arith.constant 0 : i32
    %c0_i32_0 = arith.constant 0 : i32
    %c0_i32_1 = arith.constant 0 : i32
    return %c0_i32, %c0_i32_0 : i32, i32
  }
  func.func @transform_7(%arg0: i32) -> (i32, i32) {
    %c0_i32 = arith.constant 0 : i32
    %c0_i32_0 = arith.constant 0 : i32
    %c0_i32_1 = arith.constant 0 : i32
    return %c0_i32, %c0_i32_0 : i32, i32
  }
  func.func @transform_8(%arg0: i32) -> (i32, i32) {
    %c0_i32 = arith.constant 0 : i32
    %c0_i32_0 = arith.constant 0 : i32
    %c0_i32_1 = arith.constant 0 : i32
    return %c0_i32, %c0_i32_0 : i32, i32
  }
  func.func @transform_9(%arg0: i32) -> (i32, i32) {
    %c0_i32 = arith.constant 0 : i32
    %c0_i32_0 = arith.constant 0 : i32
    %c0_i32_1 = arith.constant 0 : i32
    return %c0_i32, %c0_i32_0 : i32, i32
  }
  func.func @transform_10(%arg0: i32) -> (i32, i32) {
    %c0_i32 = arith.constant 0 : i32
    %c0_i32_0 = arith.constant 0 : i32
    %c0_i32_1 = arith.constant 0 : i32
    return %c0_i32, %c0_i32_0 : i32, i32
  }
  func.func @transform_11(%arg0: i32) -> (i32, i32) {
    %c0_i32 = arith.constant 0 : i32
    %c0_i32_0 = arith.constant 0 : i32
    %c0_i32_1 = arith.constant 0 : i32
    return %c0_i32, %c0_i32_0 : i32, i32
  }
  func.func @transform_12(%arg0: i32) -> (i32, i32) {
    %c0_i32 = arith.constant 0 : i32
    %c0_i32_0 = arith.constant 0 : i32
    %c0_i32_1 = arith.constant 0 : i32
    return %c0_i32, %c0_i32_0 : i32, i32
  }
  func.func @transform_13(%arg0: i32) -> (i32, i32) {
    %c0_i32 = arith.constant 0 : i32
    %c0_i32_0 = arith.constant 0 : i32
    %c0_i32_1 = arith.constant 0 : i32
    return %c0_i32, %c0_i32_0 : i32, i32
  }
  func.func @transform_14(%arg0: i32) -> i32 {
    %c0_i32 = arith.constant 0 : i32
    return %arg0 : i32
  }
}

</mosaic_0001>

<sc_bundles>
// kernel: kernel.4.cloned.1.call-start
scs
__scs_entry_jumppad:
0x0: {  	(pc) =	sbr.rel $0x88, $3  }
0x1: {  	(tag) =	ssettag $0x0;
	lr =	simm.s32 $0x1  }
0x2: {  	[smem:$0x3F97] =	sst lr;
	_ =	strace $0xD0000000  }
0x3: {  	_ = 	snop  }
0x4: {  	_ = 	snop  }
0x5: {  	_ = 	snop  }
0x6: {  	_ = 	snop  }
0x7: {  	_ = 	snop  }
__scs_overlays_trampoline_lowered:
0x8: {  	[smem:$0x3FA6] =	sst s0  }
0x9: {  	[smem:$0x3FA7] =	sst s1  }
0xa: {  	[smem:$0x3FA8] =	sst s2  }
0xb: {  	[smem:$0x3FA9] =	sst s3  }
0xc: {  	[smem:$0x3FAA] =	sst s4  }
0xd: {  	[smem:$0x3FAB] =	sst s5  }
0xe: {  	[smem:$0x3FAC] =	sst s6  }
0xf: {  	[smem:$0x3FAD] =	sst s7  }
0x10: {  	[smem:$0x3FAE] =	sst s8  }
0x11: {  	[smem:$0x3FAF] =	sst s9;
	s0 =	simm.s32 @!p0 $0x0  }
0x12: {  	s1 =	sld [smem:$0x3F95];
	s0 =	simm.s32 @p0 $0x1  }
0x13: {  	[smem:$0x3FB0] =	sst s0;
	s0 =	simm.s32 @!p1 $0x0  }
0x14: {  	s2 =	sld [smem:$0x3F94];
	s0 =	simm.s32 @p1 $0x1  }
0x15: {  	[smem:$0x3FB1] =	sst s0;
	s0 =	simm.s32 @!p2 $0x0  }
0x16: {  	s3 =	sld [smem:$0x3FDB];
	s0 =	simm.s32 @p2 $0x1  }
0x17: {  	s4 =	simm.s32 $0x1BF5;
	[smem:$0x3FB3] =	sst s0  }
0x18: {  	s0 =	sld [smem:$0x3F96];
	_ =	swait.ge [sflag:s4], $0x0  }
0x19: {  	s7 =	sld [smem:$0x3F97]  }
0x1a: {  	s8 =	sadd.s32 $0xFFFFE003, lr  }
0x1b: {  	s9 =	sadd.s32 $0xFFFFFEF7, lr;
	s5 =	simm.s32 $0xFFFFFFFF;
	p2 =	slt.u32 s8, $0xFFFFF086  }
0x1c: {  	p1 =	slt.u32 s9, $0xF7A;
	s5 =	simm.s32 @!p2 $0x0  }
0x1d: {  	s5 =	simm.s32 @p1 $0x1;
	p0 =	seq.s32 s7, s2  }
0x1e: {  	s7 =	smul.u32 @!p0 $0xF7A, s2;
	p2 =	seq.s32 @!p0 s5, $0x0  }
0x1f: {  	s9 =	smul.u32 $0xF7A, s1;
	s8 =	simm.s32 @!p0 $0x1BF5;
	p2 =	por !p2, p0  }
0x20: {  	[sflag:s8] =	ssyncset.s32 @!p0 $0xFFFFF086;
	s6 =	sadd.s32 @!p0 s3, s7;
	s7 =	simm.s32 @!p0 $0x108  }
0x21: {  	s3 =	sadd.s32 s3, s9;
	s6 =	sadd.s32 @!p0 $0x88, s6;
	s7 =	simm.s32 @p2 $0x1082  }
0x22: {  	[simem:s7], [sflag:s8] =	dma.local @!p0 [hbm:s6], $0xF7A  }
0x23: {  	s9 =	sor.u32 $0xD0000000, s2;
	s6 =	simm.s32 $0x108;
	_ =	swait.ge @!p0 [sflag:s8], $0x0  }
0x24: {  	s3 =	sadd.s32 $0x88, s3;
	s6 =	simm.s32 @!p1 $0x1082;
	[sflag:s4] =	ssyncset.s32 $0xFFFFF086  }
0x25: {  	[simem:s6], [sflag:s4] =	dma.local [hbm:s3], $0xF7A  }
0x26: {  	[smem:$0x3F97] =	sst s1;
	(tag) =	ssettag s2;
	_ =	strace s9  }
0x27: {  	s1 =	sld [smem:$0x3FA7]  }
0x28: {  	s2 =	sld [smem:$0x3FA8]  }
0x29: {  	s4 =	sld [smem:$0x3FAA]  }
0x2a: {  	p0 =	seq.s32 s5, $0x0;
	s5 =	sld [smem:$0x3FAB]  }
0x2b: {  	s6 =	sld [smem:$0x3FAC]  }
0x2c: {  	s7 =	sld [smem:$0x3FAD]  }
0x2d: {  	s3 =	simm.s32 $0x108;
	s8 =	sld [smem:$0x3FAE]  }
0x2e: {  	s3 =	simm.s32 @!p0 $0x1082;
	s9 =	sld [smem:$0x3FAF]  }
0x2f: {  	lr =	sadd.s32 s0, s3;
	s0 =	sld [smem:$0x3FA6]  }
0x30: {  	s3 =	sld [smem:$0x3FA9]  }
0x31: {  	[smem:$0x3FB2] =	sst s10  }
0x32: {  	s10 =	sld [smem:$0x3FB0];
	_ =	sdelay $0x3  }
0x33: {  	p0 =	seq.s32 s10, $0x1;
	s10 =	sld [smem:$0x3FB2];
	_ =	sdelay $0x3  }
0x34: {  	[smem:$0x3FB2] =	sst s10  }
0x35: {  	s10 =	sld [smem:$0x3FB1];
	_ =	sdelay $0x3  }
0x36: {  	p1 =	seq.s32 s10, $0x1;
	s10 =	sld [smem:$0x3FB2];
	_ =	sdelay $0x3  }
0x37: {  	[smem:$0x3FB2] =	sst s10  }
0x38: {  	s10 =	sld [smem:$0x3FB3]  }
0x39: {  	_ = 	snop;
	(pc) =	sbr.ind lr, $3  }
0x3a: {  	_ = 	snop  }
0x3b: {  	_ = 	snop  }
0x3c: {  	p2 =	seq.s32 s10, $0x1;
	s10 =	sld [smem:$0x3FB2]  }
0x3d: {  	_ =	shalt  }
0x3e: {  	_ =	shalt  }
0x3f: {  	_ =	shalt  }
0x40: {  	_ =	shalt  }
0x41: {  	_ =	shalt  }
0x42: {  	_ =	shalt  }
0x43: {  	_ =	shalt  }
0x44: {  	_ =	shalt  }
0x45: {  	_ =	shalt  }
0x46: {  	_ =	shalt  }
0x47: {  	_ =	shalt  }
0x48: {  	_ =	shalt  }
0x49: {  	_ =	shalt  }
0x4a: {  	_ =	shalt  }
0x4b: {  	_ =	shalt  }
0x4c: {  	_ =	shalt  }
0x4d: {  	_ =	shalt  }
0x4e: {  	_ =	shalt  }
0x4f: {  	_ =	shalt  }
0x50: {  	_ =	shalt  }
0x51: {  	_ =	shalt  }
0x52: {  	_ =	shalt  }
0x53: {  	_ =	shalt  }
0x54: {  	_ =	shalt  }
0x55: {  	_ =	shalt  }
0x56: {  	_ =	shalt  }
0x57: {  	_ =	shalt  }
0x58: {  	_ =	shalt  }
0x59: {  	_ =	shalt  }
0x5a: {  	_ =	shalt  }
0x5b: {  	_ =	shalt  }
0x5c: {  	_ =	shalt  }
0x5d: {  	_ =	shalt  }
0x5e: {  	_ =	shalt  }
0x5f: {  	_ =	shalt  }
0x60: {  	_ =	shalt  }
0x61: {  	_ =	shalt  }
0x62: {  	_ =	shalt  }
0x63: {  	_ =	shalt  }
0x64: {  	_ =	shalt  }
0x65: {  	_ =	shalt  }
0x66: {  	_ =	shalt  }
0x67: {  	_ =	shalt  }
0x68: {  	_ =	shalt  }
0x69: {  	_ =	shalt  }
0x6a: {  	_ =	shalt  }
0x6b: {  	_ =	shalt  }
0x6c: {  	_ =	shalt  }
0x6d: {  	_ =	shalt  }
0x6e: {  	_ =	shalt  }
0x6f: {  	_ =	shalt  }
0x70: {  	_ =	shalt  }
0x71: {  	_ =	shalt  }
0x72: {  	_ =	shalt  }
0x73: {  	_ =	shalt  }
0x74: {  	_ =	shalt  }
0x75: {  	_ =	shalt  }
0x76: {  	_ =	shalt  }
0x77: {  	_ =	shalt  }
0x78: {  	_ =	shalt  }
0x79: {  	_ =	shalt  }
0x7a: {  	_ =	shalt  }
0x7b: {  	_ =	shalt  }
0x7c: {  	_ =	shalt  }
0x7d: {  	_ =	shalt  }
0x7e: {  	_ =	shalt  }
0x7f: {  	_ =	shalt  }
0x80: {  	_ =	shalt  }
0x81: {  	_ =	shalt  }
0x82: {  	_ =	shalt  }
0x83: {  	_ =	shalt  }
0x84: {  	_ =	shalt  }
0x85: {  	_ =	shalt  }
0x86: {  	_ =	shalt  }
0x87: {  	_ =	shalt  }
.Lfunc_end0:
.L_simem_size_0:
called_computation_lowered:
.L_overlay_start_0:
0x88: {  	s2 =	sld [smem:$0x3FD9]  }
0x89: {  	s3 =	sld [smem:$0x3FFE];
	_ =	sdelay $0x1  }
0x8a: {  	s1 =	srdreg.scid  }
0x8b: {  	s0 =	sand.u32 $0x1, s1  }
0x8c: {  	s17 =	sshll.u32 s0, $0xA;
	s2 =	sadd.s32 s3, s2  }
0x8d: {  	s2 =	sadd.s32 s2, s17  }
0x8e: {  	[smem:$0x3FBE] =	sst s2  }
0x8f: {  	_ = 	snop  }
0x90: {  	s2 =	sld [smem:$0x3FD0];
	(tm) =	ssettm $0x1  }
0x91: {  	s18 =	sld [smem:$0x3FFB];
	_ =	sdelay $0x3  }
0x92: {  	_ =	strace s18  }
0x93: {  	s3 =	sld [smem:$0x3FFC];
	_ =	sdelay $0x3  }
0x94: {  	_ =	strace s3  }
0x95: {  	s3 =	sld [smem:$0x3FFD];
	_ =	sdelay $0x3  }
0x96: {  	_ =	strace s3  }
0x97: {  	_ =	strace $0x8FFFFFFF  }
0x98: {  	s19 =	sld [smem:$0x3FDB];
	_ =	sdelay $0x1  }
0x99: {  	s4 =	simm.s32 $_scs_section_size  }
0x9a: {  	s5 =	simm.s32 $_size__tile_overlayer_lowered;
	s6 =	simm.s32 $_tile_overlayer_lowered  }
0x9b: {  	s22 =	simm.s32 $0x1BFF;
	s21 =	sshll.u32 s6, $0x1;
	s3 =	sadd.s32 s4, s19  }
0x9c: {  	s7 =	simm.s32 $0x0;
	s20 =	sshll.u32 s5, $0x1;
	s5 =	sadd.s32 s21, s3  }
0x9d: {  	[timem:s7], [sflag:s22] =	dma.local [hbm:s5], s20  }
0x9e: {  	_ =	swait.ge [sflag:s22], s20  }
0x9f: {  	s4 =	ssub.s32 $0x0, s20;
	[sflag:s22] =	ssyncset.done $0x0  }
0xa0: {  	[sflag:s22] =	ssyncadd.s32 s4;
	_ =	sdelay $0x1  }
0xa1: {  	s23 =	simm.s32 $0x1B8B  }
0xa2: {  	_ =	swait.ge [sflag:s23], $0x1  }
0xa3: {  	[sflag:s23] =	ssyncset.done $0x0  }
0xa4: {  	s25 =	simm.s32 $0x1B8E;
	s24 =	sld [smem:$0x3FFE];
	[sflag:s23] =	ssyncadd.s32 $0xFFFFFFFF  }
0xa5: {  	s26 =	simm.s32 $execute0_lowered;
	[smem:$0x3FD2] =	sst s25  }
0xa6: {  	s5 =	sshll.u32 s26, $0x1;
	_ =	strace $0x80000046;
	[dreg:$0x1] =	wrdreg $0xFFFFFFFF  }
0xa7: {  	s28 =	simm.s32 $_size_execute0_lowered;
	s3 =	sadd.s32 s3, s5;
	[dreg:$0x0] =	wrdreg $0x0  }
0xa8: {  	s5 =	sshll.u32 s28, $0x1;
	[dreg:$0x2] =	wrdreg s3  }
0xa9: {  	[dreg:$0x3] =	wrdreg s5  }
0xaa: {  	[dreg:$0x4] =	wrdreg $0xC0  }
0xab: {  	_ =	task [dreg:s7], $0x5FFFF  }
0xac: {  	[dreg:$0x1] =	wrdreg $0xFFFFFFFF  }
0xad: {  	[dreg:$0x0] =	wrdreg $0x60  }
0xae: {  	[dreg:$0x2] =	wrdreg s24  }
0xaf: {  	[dreg:$0x3] =	wrdreg s2  }
0xb0: {  	[dreg:$0x4] =	wrdreg $0x9  }
0xb1: {  	_ =	task.clear_ibuf [dreg:s7], $0x5FFFF;
	_ =	strace $0x90000046  }
0xb2: {  	s29 =	simm.s32 $0x9;
	_ =	strace $0x80000048  }
0xb3: {  	_ =	swait.ge [sflag:s29], $0x1  }
0xb4: {  	[sflag:s29] =	ssyncadd.s32 $0xFFFFFFFF  }
0xb5: {  	_ =	strace $0x90000048  }
0xb6: {  	_ =	sfence  }
0xb7: {  	s30 =	sld [smem:$0x0];
	_ =	sdelay $0x2  }
0xb8: {  	s31 =	sshll.u32 s1, $0xD;
	s1 =	sshrl.u32 s1, $0x2  }
0xb9: {  	s3 =	sand.u32 $0x4000, s31;
	s1 =	sadd.s32 s1, s30  }
0xba: {  	s0 =	sor.u32 s3, s0;
	s1 =	sshll.u32 s1, $0x11  }
0xbb: {  	s0 =	sor.u32 s1, s0  }
0xbc: {  	s0 =	sadd.s32 $0x8F2B, s0  }
0xbd: {  	[sflag:s0] =	ssyncadd.remote.s32 $0x1  }
0xbe: {  	_ =	sfence.sel $0xFFFF  }
0xbf: {  	[dreg:$0x0] =	wrdreg $0xFFFFFFFF;
	(pc) =	sbr.abs _section_cstart, $3  }
0xc0: {  	[dreg:$0x1] =	wrdreg $0xFFFFFFFF  }
0xc1: {  	_ =	task.clear_ibuf [dreg:s7], $0x2FFFF;
	_ =	strace $0x9FFFFFFF  }
0xc2: {  	(tm) =	ssettm $0x7FFFFFFF  }
0xc3: {  	_ =	shalt  }
tec
execute0_lowered:
.L_overlay_start_1:
0x0: {  	(tag) =	ssettag $0x1  }
0x1: {  	s0 =	rddreg [dreg:$0x0];
	s1 =	srdreg.scid  }
0x2: {  	s2 =	stileid.u32;
	s3 =	rddreg [dreg:$0x1];
	s14 =	simm.s32 $0x200  }
0x3: {  	s13 =	simm.s32 $0x80;
	s15 =	simm.s32 $0x280;
	s18 =	simm.s32 $0x5400  }
0x4: {  	s19 =	simm.s32 $0x8480;
	s20 =	simm.s32 $0x8680;
	s16 =	simm.s32 $0x100  }
0x5: {  	s22 =	simm.s32 $0x2400;
	s17 =	simm.s32 $0x300;
	s23 =	simm.s32 $0x6400  }
0x6: {  	s21 =	simm.s32 $0x180;
	p0 =	por $0x0, $0x0;
	s28 =	simm.s32 $0x3400  }
0x7: {  	s29 =	simm.s32 $0x7400;
	s30 =	simm.s32 $0x8580;
	s31 =	simm.s32 $0x8780  }
0x8: {  	s1 =	sand.u32 $0x1, s1;
	s4 =	sshll.u32 s2, $0x1;
	s2 =	simm.s32 $0x0  }
0x9: {  	s9 =	sadd.s32 $0x1314A00, s0;
	s10 =	sadd.s32 $0xF44000, s0;
	s11 =	sadd.s32 $0x20600, s0  }
0xa: {  	s12 =	sadd.s32 $0x1C00, s0;
	s4 =	sor.u32 s1, s4;
	[smem:$0x7FF] =	sst s2  }
0xb: {  	s1 =	ssub.s32 $0x2, s1;
	s5 =	sshll.u32 s4, $0x6;
	_ =	strace $0x80000047  }
0xc: {  	s4 =	sshll.u32 s4, $0xB;
	s26 =	sshrl.u32 s1, $0x1;
	s6 =	sadd.s32 s5, s0  }
0xd: {  	s4 =	sadd.s32 s4, s0;
	s3 =	sadd.s32 s3, s5;
	s1 =	ssub.s32 s1, s26  }
0xe: {  	s26 =	simm.s32 $0x1400;
	s7 =	sadd.s32 $0x1400, s6;
	[dreg:$0x4] =	wrdreg s3  }
0xf: {  	s24 =	sadd.s32 $0x4F000, s4;
	s25 =	sadd.s32 $0x3F000, s4;
	[dreg:$0x9] =	wrdreg s26  }
0x10: {  	s5 =	sadd.s32 $0x5F000, s6;
	s8 =	smax.u32 s1, $0x1;
	[dreg:$0x3] =	wrdreg s7  }
0x11: {  	s3 =	simm.s32 $0x2;
	[dreg:$0x5] =	wrdreg s24;
	p1 =	sne.s32 s8, $0x1  }
.Ltmp0:
0x12: {  	s4 =	simm.s32 $0x8600;
	[dreg:$0x6] =	wrdreg s25;
	(pc) =	sbr.rel @!p1 .LBB2_3-.Ltmp0, $4  }
0x13: {  	s26 =	simm.s32 $0x380;
	[dreg:$0x7] =	wrdreg s5;
	s7 =	sadd.s32 $0x5F800, s6  }
0x14: {  	s6 =	simm.s32 $0x4400;
	s5 =	simm.s32 $0x8400;
	s24 =	simm.s32 $0x8500  }
0x15: {  	s25 =	simm.s32 $0x8700;
	s1 =	sadd.s32 $0xFFFFFFFF, s8;
	[dreg:$0x8] =	wrdreg s7  }
0x16: {  	s8 =	simm.s32 $0x1;
	s7 =	simm.s32 $0x400;
	s0 =	rddreg [dreg:$0x3]  }
0x17: {  	[tilespmem:s2], [sflag:$0x2] =	stream.linear.gather [hbm4b:s0+s2], $0x200, $0x38;
	[tilespmem:$0x8800] =	vst v63  }
0x18: {  	_ =	swait.ge [sflag:s3], $0x200  }
0x19: {  	[sflag:s3] =	ssyncset.done $0x0  }
0x1a: {  	s0 =	rddreg [dreg:$0x4];
	[sflag:s3] =	ssyncadd.s32 $0xFFFFFE00  }
0x1b: {  	[tilespmem:s14], [sflag:$0x2] =	stream.linear.gather [hbm4b:s0+s2], $0x200, $0x38;
	[tilespmem:$0x8800] =	vst v63  }
0x1c: {  	_ =	swait.ge [sflag:s3], $0x200  }
0x1d: {  	[sflag:s3] =	ssyncset.done $0x0  }
0x1e: {  	[sflag:s3] =	ssyncadd.s32 $0xFFFFFE00  }
0x1f: {  	[tilespmem:s7], [sflag:$0x1] =	stream.indirect.gather [hbm4b:s9+s13], $0x20, s2, s13, $0xb8;
	[tilespmem:$0x8800] =	vst v63  }
0x20: {  	_ = 	snop  }
0x21: {  	[tilespmem:s6], [sflag:$0x1] =	stream.indirect.gather [hbm4b:s10+s13], $0x20, s14, s13, $0xb8;
	[tilespmem:$0x8800] =	vst v63  }
0x22: {  	_ = 	snop  }
0x23: {  	[tilespmem:s5], [sflag:$0x1] =	stream.indirect.gather [hbm4b:s11+s13], $0x1, s2, s13, $0xb8;
	[tilespmem:$0x8800] =	vst v63  }
0x24: {  	_ = 	snop  }
0x25: {  	[tilespmem:s4], [sflag:$0x1] =	stream.indirect.gather [hbm4b:s12+s13], $0x1, s14, s13, $0xb8;
	[tilespmem:$0x8800] =	vst v63  }
0x26: {  	s0 =	rddreg [dreg:$0x9]  }
0x27: {  	[tilespmem:s0], [sflag:$0x1] =	stream.indirect.gather [hbm4b:s9+s13], $0x20, s13, s13, $0xb8;
	[tilespmem:$0x8800] =	vst v63  }
0x28: {  	_ = 	snop  }
0x29: {  	[tilespmem:s18], [sflag:$0x1] =	stream.indirect.gather [hbm4b:s10+s13], $0x20, s15, s13, $0xb8;
	[tilespmem:$0x8800] =	vst v63  }
0x2a: {  	_ = 	snop  }
0x2b: {  	[tilespmem:s19], [sflag:$0x1] =	stream.indirect.gather [hbm4b:s11+s13], $0x1, s13, s13, $0xb8;
	[tilespmem:$0x8800] =	vst v63  }
0x2c: {  	_ = 	snop  }
0x2d: {  	[tilespmem:s20], [sflag:$0x1] =	stream.indirect.gather [hbm4b:s12+s13], $0x1, s15, s13, $0xb8;
	[tilespmem:$0x8800] =	vst v63  }
0x2e: {  	_ = 	snop  }
0x2f: {  	[tilespmem:s22], [sflag:$0x1] =	stream.indirect.gather [hbm4b:s9+s13], $0x20, s16, s13, $0xb8;
	[tilespmem:$0x8800] =	vst v63  }
0x30: {  	_ = 	snop  }
0x31: {  	[tilespmem:s23], [sflag:$0x1] =	stream.indirect.gather [hbm4b:s10+s13], $0x20, s17, s13, $0xb8;
	[tilespmem:$0x8800] =	vst v63  }
0x32: {  	_ = 	snop  }
0x33: {  	[tilespmem:s24], [sflag:$0x1] =	stream.indirect.gather [hbm4b:s11+s13], $0x1, s16, s13, $0xb8;
	[tilespmem:$0x8800] =	vst v63  }
0x34: {  	_ = 	snop  }
0x35: {  	[tilespmem:s25], [sflag:$0x1] =	stream.indirect.gather [hbm4b:s12+s13], $0x1, s17, s13, $0xb8;
	[tilespmem:$0x8800] =	vst v63  }
0x36: {  	_ = 	snop  }
0x37: {  	[tilespmem:s28], [sflag:$0x1] =	stream.indirect.gather [hbm4b:s9+s13], $0x20, s21, s13, $0xb8;
	[tilespmem:$0x8800] =	vst v63  }
0x38: {  	_ = 	snop  }
0x39: {  	[tilespmem:s29], [sflag:$0x1] =	stream.indirect.gather [hbm4b:s10+s13], $0x20, s26, s13, $0xb8;
	[tilespmem:$0x8800] =	vst v63  }
0x3a: {  	_ = 	snop  }
0x3b: {  	[tilespmem:s30], [sflag:$0x1] =	stream.indirect.gather [hbm4b:s11+s13], $0x1, s21, s13, $0xb8;
	[tilespmem:$0x8800] =	vst v63  }
0x3c: {  	_ = 	snop  }
0x3d: {  	[tilespmem:s31], [sflag:$0x1] =	stream.indirect.gather [hbm4b:s12+s13], $0x1, s26, s13, $0xb8;
	[tilespmem:$0x8800] =	vst v63  }
0x3e: {  	_ =	swait.ge [sflag:s8], $0x1000  }
0x3f: {  	[sflag:s8] =	ssyncset.done $0x0  }
0x40: {  	[sflag:s8] =	ssyncadd.s32 $0xFFFFF000  }
0x41: {  	_ =	swait.ge [sflag:s8], $0x1000  }
0x42: {  	[sflag:s8] =	ssyncset.done $0x0  }
0x43: {  	[sflag:s8] =	ssyncadd.s32 $0xFFFFF000  }
0x44: {  	_ =	swait.ge [sflag:s8], $0x80  }
0x45: {  	[sflag:s8] =	ssyncset.done $0x0  }
0x46: {  	[sflag:s8] =	ssyncadd.s32 $0xFFFFFF80  }
0x47: {  	_ =	swait.ge [sflag:s8], $0x80  }
0x48: {  	[sflag:s8] =	ssyncset.done $0x0  }
0x49: {  	[sflag:s8] =	ssyncadd.s32 $0xFFFFFF80  }
0x4a: {  	_ =	swait.ge [sflag:s8], $0x1000  }
0x4b: {  	[sflag:s8] =	ssyncset.done $0x0  }
0x4c: {  	[sflag:s8] =	ssyncadd.s32 $0xFFFFF000  }
0x4d: {  	_ =	swait.ge [sflag:s8], $0x1000  }
0x4e: {  	[sflag:s8] =	ssyncset.done $0x0  }
0x4f: {  	[sflag:s8] =	ssyncadd.s32 $0xFFFFF000  }
0x50: {  	_ =	swait.ge [sflag:s8], $0x80  }
0x51: {  	[sflag:s8] =	ssyncset.done $0x0  }
0x52: {  	[sflag:s8] =	ssyncadd.s32 $0xFFFFFF80  }
0x53: {  	_ =	swait.ge [sflag:s8], $0x80  }
0x54: {  	[sflag:s8] =	ssyncset.done $0x0  }
0x55: {  	[sflag:s8] =	ssyncadd.s32 $0xFFFFFF80  }
0x56: {  	_ =	swait.ge [sflag:s8], $0x1000  }
0x57: {  	[sflag:s8] =	ssyncset.done $0x0  }
0x58: {  	[sflag:s8] =	ssyncadd.s32 $0xFFFFF000  }
0x59: {  	_ =	swait.ge [sflag:s8], $0x1000  }
0x5a: {  	[sflag:s8] =	ssyncset.done $0x0  }
0x5b: {  	[sflag:s8] =	ssyncadd.s32 $0xFFFFF000  }
0x5c: {  	_ =	swait.ge [sflag:s8], $0x80  }
0x5d: {  	[sflag:s8] =	ssyncset.done $0x0  }
0x5e: {  	[sflag:s8] =	ssyncadd.s32 $0xFFFFFF80  }
0x5f: {  	_ =	swait.ge [sflag:s8], $0x80  }
0x60: {  	[sflag:s8] =	ssyncset.done $0x0  }
0x61: {  	[sflag:s8] =	ssyncadd.s32 $0xFFFFFF80  }
0x62: {  	_ =	swait.ge [sflag:s8], $0x1000  }
0x63: {  	[sflag:s8] =	ssyncset.done $0x0  }
0x64: {  	[sflag:s8] =	ssyncadd.s32 $0xFFFFF000  }
0x65: {  	_ =	swait.ge [sflag:s8], $0x1000  }
0x66: {  	[sflag:s8] =	ssyncset.done $0x0  }
0x67: {  	[sflag:s8] =	ssyncadd.s32 $0xFFFFF000  }
0x68: {  	_ =	swait.ge [sflag:s8], $0x80  }
0x69: {  	[sflag:s8] =	ssyncset.done $0x0  }
0x6a: {  	[sflag:s8] =	ssyncadd.s32 $0xFFFFFF80  }
0x6b: {  	_ =	swait.ge [sflag:s8], $0x80  }
0x6c: {  	[sflag:s8] =	ssyncset.done $0x0  }
0x6d: {  	s0 =	rddreg [dreg:$0x5];
	[sflag:s8] =	ssyncadd.s32 $0xFFFFFF80  }
0x6e: {  	[hbm4b:s0+s2] =	stream.linear.scatter [tilespmem:s7], [sflag:$0x2], $0x4000, $0x38;
	[tilespmem:$0x8800] =	vst v63  }
0x6f: {  	_ =	swait.ge [sflag:s3], $0x4000  }
0x70: {  	[sflag:s3] =	ssyncset.done $0x0  }
0x71: {  	s0 =	rddreg [dreg:$0x6];
	[sflag:s3] =	ssyncadd.s32 $0xFFFFC000  }
0x72: {  	[hbm4b:s0+s2] =	stream.linear.scatter [tilespmem:s6], [sflag:$0x2], $0x4000, $0x38;
	[tilespmem:$0x8800] =	vst v63  }
0x73: {  	_ =	swait.ge [sflag:s3], $0x4000  }
0x74: {  	[sflag:s3] =	ssyncset.done $0x0  }
0x75: {  	s0 =	rddreg [dreg:$0x7];
	[sflag:s3] =	ssyncadd.s32 $0xFFFFC000  }
0x76: {  	[hbm4b:s0+s2] =	stream.linear.scatter [tilespmem:s5], [sflag:$0x2], $0x200, $0x38;
	[tilespmem:$0x8800] =	vst v63  }
0x77: {  	p1 =	sne.s32 s1, $0x1;
	_ =	swait.ge [sflag:s3], $0x200  }
.Ltmp1:
0x78: {  	[sflag:s3] =	ssyncset.done $0x0;
	(pc) =	sbr.rel @!p1 .LBB2_3-.Ltmp1, $4  }
0x79: {  	s0 =	rddreg [dreg:$0x8];
	[sflag:s3] =	ssyncadd.s32 $0xFFFFFE00  }
0x7a: {  	[hbm4b:s0+s2] =	stream.linear.scatter [tilespmem:s4], [sflag:$0x2], $0x200, $0x38;
	[tilespmem:$0x8800] =	vst v63  }
0x7b: {  	s1 =	sadd.s32 $0xFFFFFFFF, s1;
	_ =	swait.ge [sflag:s3], $0x200  }
0x7c: {  	p0 =	por $0x1, $0x1;
	s0 =	rddreg [dreg:$0x3];
	[sflag:s3] =	ssyncset.done $0x0  }
.LBB2_2:
0x7d: {  	[sflag:s3] =	ssyncadd.s32 $0xFFFFFE00  }
0x7e: {  	[tilespmem:s2], [sflag:$0x2] =	stream.linear.gather [hbm4b:s0+s2], $0x200, $0x38;
	[tilespmem:$0x8800] =	vst v63  }
0x7f: {  	_ =	swait.ge [sflag:s3], $0x200  }
0x80: {  	[sflag:s3] =	ssyncset.done $0x0  }
0x81: {  	s0 =	rddreg [dreg:$0x4];
	[sflag:s3] =	ssyncadd.s32 $0xFFFFFE00  }
0x82: {  	[tilespmem:s14], [sflag:$0x2] =	stream.linear.gather [hbm4b:s0+s2], $0x200, $0x38;
	[tilespmem:$0x8800] =	vst v63  }
0x83: {  	_ =	swait.ge [sflag:s3], $0x200  }
0x84: {  	[sflag:s3] =	ssyncset.done $0x0  }
0x85: {  	[sflag:s3] =	ssyncadd.s32 $0xFFFFFE00  }
0x86: {  	[tilespmem:s7], [sflag:$0x1] =	stream.indirect.gather [hbm4b:s9+s13], $0x20, s2, s13, $0xb8;
	[tilespmem:$0x8800] =	vst v63  }
0x87: {  	_ = 	snop  }
0x88: {  	[tilespmem:s6], [sflag:$0x1] =	stream.indirect.gather [hbm4b:s10+s13], $0x20, s14, s13, $0xb8;
	[tilespmem:$0x8800] =	vst v63  }
0x89: {  	_ = 	snop  }
0x8a: {  	[tilespmem:s5], [sflag:$0x1] =	stream.indirect.gather [hbm4b:s11+s13], $0x1, s2, s13, $0xb8;
	[tilespmem:$0x8800] =	vst v63  }
0x8b: {  	_ = 	snop  }
0x8c: {  	[tilespmem:s4], [sflag:$0x1] =	stream.indirect.gather [hbm4b:s12+s13], $0x1, s14, s13, $0xb8;
	[tilespmem:$0x8800] =	vst v63  }
0x8d: {  	s0 =	rddreg [dreg:$0x9]  }
0x8e: {  	[tilespmem:s0], [sflag:$0x1] =	stream.indirect.gather [hbm4b:s9+s13], $0x20, s13, s13, $0xb8;
	[tilespmem:$0x8800] =	vst v63  }
0x8f: {  	_ = 	snop  }
0x90: {  	[tilespmem:s18], [sflag:$0x1] =	stream.indirect.gather [hbm4b:s10+s13], $0x20, s15, s13, $0xb8;
	[tilespmem:$0x8800] =	vst v63  }
0x91: {  	_ = 	snop  }
0x92: {  	[tilespmem:s19], [sflag:$0x1] =	stream.indirect.gather [hbm4b:s11+s13], $0x1, s13, s13, $0xb8;
	[tilespmem:$0x8800] =	vst v63  }
0x93: {  	_ = 	snop  }
0x94: {  	[tilespmem:s20], [sflag:$0x1] =	stream.indirect.gather [hbm4b:s12+s13], $0x1, s15, s13, $0xb8;
	[tilespmem:$0x8800] =	vst v63  }
0x95: {  	_ = 	snop  }
0x96: {  	[tilespmem:s22], [sflag:$0x1] =	stream.indirect.gather [hbm4b:s9+s13], $0x20, s16, s13, $0xb8;
	[tilespmem:$0x8800] =	vst v63  }
0x97: {  	_ = 	snop  }
0x98: {  	[tilespmem:s23], [sflag:$0x1] =	stream.indirect.gather [hbm4b:s10+s13], $0x20, s17, s13, $0xb8;
	[tilespmem:$0x8800] =	vst v63  }
0x99: {  	_ = 	snop  }
0x9a: {  	[tilespmem:s24], [sflag:$0x1] =	stream.indirect.gather [hbm4b:s11+s13], $0x1, s16, s13, $0xb8;
	[tilespmem:$0x8800] =	vst v63  }
0x9b: {  	_ = 	snop  }
0x9c: {  	[tilespmem:s25], [sflag:$0x1] =	stream.indirect.gather [hbm4b:s12+s13], $0x1, s17, s13, $0xb8;
	[tilespmem:$0x8800] =	vst v63  }
0x9d: {  	_ = 	snop  }
0x9e: {  	[tilespmem:s28], [sflag:$0x1] =	stream.indirect.gather [hbm4b:s9+s13], $0x20, s21, s13, $0xb8;
	[tilespmem:$0x8800] =	vst v63  }
0x9f: {  	_ = 	snop  }
0xa0: {  	[tilespmem:s29], [sflag:$0x1] =	stream.indirect.gather [hbm4b:s10+s13], $0x20, s26, s13, $0xb8;
	[tilespmem:$0x8800] =	vst v63  }
0xa1: {  	_ = 	snop  }
0xa2: {  	[tilespmem:s30], [sflag:$0x1] =	stream.indirect.gather [hbm4b:s11+s13], $0x1, s21, s13, $0xb8;
	[tilespmem:$0x8800] =	vst v63  }
0xa3: {  	_ = 	snop  }
0xa4: {  	[tilespmem:s31], [sflag:$0x1] =	stream.indirect.gather [hbm4b:s12+s13], $0x1, s26, s13, $0xb8;
	[tilespmem:$0x8800] =	vst v63  }
0xa5: {  	_ =	swait.ge [sflag:s8], $0x1000  }
0xa6: {  	[sflag:s8] =	ssyncset.done $0x0  }
0xa7: {  	[sflag:s8] =	ssyncadd.s32 $0xFFFFF000  }
0xa8: {  	_ =	swait.ge [sflag:s8], $0x1000  }
0xa9: {  	[sflag:s8] =	ssyncset.done $0x0  }
0xaa: {  	[sflag:s8] =	ssyncadd.s32 $0xFFFFF000  }
0xab: {  	_ =	swait.ge [sflag:s8], $0x80  }
0xac: {  	[sflag:s8] =	ssyncset.done $0x0  }
0xad: {  	[sflag:s8] =	ssyncadd.s32 $0xFFFFFF80  }
0xae: {  	_ =	swait.ge [sflag:s8], $0x80  }
0xaf: {  	[sflag:s8] =	ssyncset.done $0x0  }
0xb0: {  	[sflag:s8] =	ssyncadd.s32 $0xFFFFFF80  }
0xb1: {  	_ =	swait.ge [sflag:s8], $0x1000  }
0xb2: {  	[sflag:s8] =	ssyncset.done $0x0  }
0xb3: {  	[sflag:s8] =	ssyncadd.s32 $0xFFFFF000  }
0xb4: {  	_ =	swait.ge [sflag:s8], $0x1000  }
0xb5: {  	[sflag:s8] =	ssyncset.done $0x0  }
0xb6: {  	[sflag:s8] =	ssyncadd.s32 $0xFFFFF000  }
0xb7: {  	_ =	swait.ge [sflag:s8], $0x80  }
0xb8: {  	[sflag:s8] =	ssyncset.done $0x0  }
0xb9: {  	[sflag:s8] =	ssyncadd.s32 $0xFFFFFF80  }
0xba: {  	_ =	swait.ge [sflag:s8], $0x80  }
0xbb: {  	[sflag:s8] =	ssyncset.done $0x0  }
0xbc: {  	[sflag:s8] =	ssyncadd.s32 $0xFFFFFF80  }
0xbd: {  	_ =	swait.ge [sflag:s8], $0x1000  }
0xbe: {  	[sflag:s8] =	ssyncset.done $0x0  }
0xbf: {  	[sflag:s8] =	ssyncadd.s32 $0xFFFFF000  }
0xc0: {  	_ =	swait.ge [sflag:s8], $0x1000  }
0xc1: {  	[sflag:s8] =	ssyncset.done $0x0  }
0xc2: {  	[sflag:s8] =	ssyncadd.s32 $0xFFFFF000  }
0xc3: {  	_ =	swait.ge [sflag:s8], $0x80  }
0xc4: {  	[sflag:s8] =	ssyncset.done $0x0  }
0xc5: {  	[sflag:s8] =	ssyncadd.s32 $0xFFFFFF80  }
0xc6: {  	_ =	swait.ge [sflag:s8], $0x80  }
0xc7: {  	[sflag:s8] =	ssyncset.done $0x0  }
0xc8: {  	[sflag:s8] =	ssyncadd.s32 $0xFFFFFF80  }
0xc9: {  	_ =	swait.ge [sflag:s8], $0x1000  }
0xca: {  	[sflag:s8] =	ssyncset.done $0x0  }
0xcb: {  	[sflag:s8] =	ssyncadd.s32 $0xFFFFF000  }
0xcc: {  	_ =	swait.ge [sflag:s8], $0x1000  }
0xcd: {  	[sflag:s8] =	ssyncset.done $0x0  }
0xce: {  	[sflag:s8] =	ssyncadd.s32 $0xFFFFF000  }
0xcf: {  	_ =	swait.ge [sflag:s8], $0x80  }
0xd0: {  	[sflag:s8] =	ssyncset.done $0x0  }
0xd1: {  	[sflag:s8] =	ssyncadd.s32 $0xFFFFFF80  }
0xd2: {  	_ =	swait.ge [sflag:s8], $0x80  }
0xd3: {  	[sflag:s8] =	ssyncset.done $0x0  }
0xd4: {  	s0 =	rddreg [dreg:$0x5];
	[sflag:s8] =	ssyncadd.s32 $0xFFFFFF80  }
0xd5: {  	[hbm4b:s0+s2] =	stream.linear.scatter [tilespmem:s7], [sflag:$0x2], $0x4000, $0x38;
	[tilespmem:$0x8800] =	vst v63  }
0xd6: {  	_ =	swait.ge [sflag:s3], $0x4000  }
0xd7: {  	[sflag:s3] =	ssyncset.done $0x0  }
0xd8: {  	s0 =	rddreg [dreg:$0x6];
	[sflag:s3] =	ssyncadd.s32 $0xFFFFC000  }
0xd9: {  	[hbm4b:s0+s2] =	stream.linear.scatter [tilespmem:s6], [sflag:$0x2], $0x4000, $0x38;
	[tilespmem:$0x8800] =	vst v63  }
0xda: {  	_ =	swait.ge [sflag:s3], $0x4000  }
0xdb: {  	[sflag:s3] =	ssyncset.done $0x0  }
0xdc: {  	s0 =	rddreg [dreg:$0x7];
	[sflag:s3] =	ssyncadd.s32 $0xFFFFC000  }
0xdd: {  	[hbm4b:s0+s2] =	stream.linear.scatter [tilespmem:s5], [sflag:$0x2], $0x200, $0x38;
	[tilespmem:$0x8800] =	vst v63  }
0xde: {  	p1 =	sne.s32 s1, $0x1;
	_ =	swait.ge [sflag:s3], $0x200  }
.Ltmp2:
0xdf: {  	[sflag:s3] =	ssyncset.done $0x0;
	(pc) =	sbr.rel @p1 .LBB2_2-.Ltmp2, $4  }
0xe0: {  	s0 =	rddreg [dreg:$0x8];
	[sflag:s3] =	ssyncadd.s32 $0xFFFFFE00  }
0xe1: {  	[hbm4b:s0+s2] =	stream.linear.scatter [tilespmem:s4], [sflag:$0x2], $0x200, $0x38;
	[tilespmem:$0x8800] =	vst v63  }
0xe2: {  	_ =	swait.ge [sflag:s3], $0x200  }
0xe3: {  	s1 =	sadd.s32 $0xFFFFFFFF, s1;
	s0 =	rddreg [dreg:$0x3];
	[sflag:s3] =	ssyncset.done $0x0  }
.LBB2_3:
0xe4: {  	[sflag:s3] =	ssyncadd.s32 @p0 $0xFFFFFE00  }
0xe5: {  	[tilespmem:s2], [sflag:$0x2] =	stream.linear.gather [hbm4b:s0+s2], $0x200, $0x38;
	[tilespmem:$0x8800] =	vst v63  }
0xe6: {  	_ =	swait.ge [sflag:s3], $0x200  }
0xe7: {  	[sflag:s3] =	ssyncset.done $0x0  }
0xe8: {  	s1 =	rddreg [dreg:$0x4];
	[sflag:s3] =	ssyncadd.s32 $0xFFFFFE00  }
0xe9: {  	[tilespmem:s14], [sflag:$0x2] =	stream.linear.gather [hbm4b:s1+s2], $0x200, $0x38;
	[tilespmem:$0x8800] =	vst v63  }
0xea: {  	_ =	swait.ge [sflag:s3], $0x200  }
0xeb: {  	[sflag:s3] =	ssyncset.done $0x0  }
0xec: {  	[sflag:s3] =	ssyncadd.s32 $0xFFFFFE00  }
0xed: {  	[tilespmem:s7], [sflag:$0x1] =	stream.indirect.gather [hbm4b:s9+s13], $0x20, s2, s13, $0xb8;
	[tilespmem:$0x8800] =	vst v63  }
0xee: {  	_ = 	snop  }
0xef: {  	[tilespmem:s6], [sflag:$0x1] =	stream.indirect.gather [hbm4b:s10+s13], $0x20, s14, s13, $0xb8;
	[tilespmem:$0x8800] =	vst v63  }
0xf0: {  	_ = 	snop  }
0xf1: {  	[tilespmem:s5], [sflag:$0x1] =	stream.indirect.gather [hbm4b:s11+s13], $0x1, s2, s13, $0xb8;
	[tilespmem:$0x8800] =	vst v63  }
0xf2: {  	_ = 	snop  }
0xf3: {  	[tilespmem:s4], [sflag:$0x1] =	stream.indirect.gather [hbm4b:s12+s13], $0x1, s14, s13, $0xb8;
	[tilespmem:$0x8800] =	vst v63  }
0xf4: {  	s1 =	rddreg [dreg:$0x9]  }
0xf5: {  	[tilespmem:s1], [sflag:$0x1] =	stream.indirect.gather [hbm4b:s9+s13], $0x20, s13, s13, $0xb8;
	[tilespmem:$0x8800] =	vst v63  }
0xf6: {  	_ = 	snop  }
0xf7: {  	[tilespmem:s18], [sflag:$0x1] =	stream.indirect.gather [hbm4b:s10+s13], $0x20, s15, s13, $0xb8;
	[tilespmem:$0x8800] =	vst v63  }
0xf8: {  	_ = 	snop  }
0xf9: {  	[tilespmem:s19], [sflag:$0x1] =	stream.indirect.gather [hbm4b:s11+s13], $0x1, s13, s13, $0xb8;
	[tilespmem:$0x8800] =	vst v63  }
0xfa: {  	_ = 	snop  }
0xfb: {  	[tilespmem:s20], [sflag:$0x1] =	stream.indirect.gather [hbm4b:s12+s13], $0x1, s15, s13, $0xb8;
	[tilespmem:$0x8800] =	vst v63  }
0xfc: {  	_ = 	snop  }
0xfd: {  	[tilespmem:s22], [sflag:$0x1] =	stream.indirect.gather [hbm4b:s9+s13], $0x20, s16, s13, $0xb8;
	[tilespmem:$0x8800] =	vst v63  }
0xfe: {  	_ = 	snop  }
0xff: {  	[tilespmem:s23], [sflag:$0x1] =	stream.indirect.gather [hbm4b:s10+s13], $0x20, s17, s13, $0xb8;
	[tilespmem:$0x8800] =	vst v63  }
0x100: {  	_ = 	snop  }
0x101: {  	[tilespmem:s24], [sflag:$0x1] =	stream.indirect.gather [hbm4b:s11+s13], $0x1, s16, s13, $0xb8;
	[tilespmem:$0x8800] =	vst v63  }
0x102: {  	_ = 	snop  }
0x103: {  	[tilespmem:s25], [sflag:$0x1] =	stream.indirect.gather [hbm4b:s12+s13], $0x1, s17, s13, $0xb8;
	[tilespmem:$0x8800] =	vst v63  }
0x104: {  	_ = 	snop  }
0x105: {  	[tilespmem:s28], [sflag:$0x1] =	stream.indirect.gather [hbm4b:s9+s13], $0x20, s21, s13, $0xb8;
	[tilespmem:$0x8800] =	vst v63  }
0x106: {  	_ = 	snop  }
0x107: {  	[tilespmem:s29], [sflag:$0x1] =	stream.indirect.gather [hbm4b:s10+s13], $0x20, s26, s13, $0xb8;
	[tilespmem:$0x8800] =	vst v63  }
0x108: {  	_ = 	snop  }
0x109: {  	[tilespmem:s30], [sflag:$0x1] =	stream.indirect.gather [hbm4b:s11+s13], $0x1, s21, s13, $0xb8;
	[tilespmem:$0x8800] =	vst v63  }
0x10a: {  	_ = 	snop  }
0x10b: {  	[tilespmem:s31], [sflag:$0x1] =	stream.indirect.gather [hbm4b:s12+s13], $0x1, s26, s13, $0xb8;
	[tilespmem:$0x8800] =	vst v63  }
0x10c: {  	_ =	swait.ge [sflag:s8], $0x1000  }
0x10d: {  	[sflag:s8] =	ssyncset.done $0x0  }
0x10e: {  	[sflag:s8] =	ssyncadd.s32 $0xFFFFF000  }
0x10f: {  	_ =	swait.ge [sflag:s8], $0x1000  }
0x110: {  	[sflag:s8] =	ssyncset.done $0x0  }
0x111: {  	[sflag:s8] =	ssyncadd.s32 $0xFFFFF000  }
0x112: {  	_ =	swait.ge [sflag:s8], $0x80  }
0x113: {  	[sflag:s8] =	ssyncset.done $0x0  }
0x114: {  	[sflag:s8] =	ssyncadd.s32 $0xFFFFFF80  }
0x115: {  	_ =	swait.ge [sflag:s8], $0x80  }
0x116: {  	[sflag:s8] =	ssyncset.done $0x0  }
0x117: {  	[sflag:s8] =	ssyncadd.s32 $0xFFFFFF80  }
0x118: {  	_ =	swait.ge [sflag:s8], $0x1000  }
0x119: {  	[sflag:s8] =	ssyncset.done $0x0  }
0x11a: {  	[sflag:s8] =	ssyncadd.s32 $0xFFFFF000  }
0x11b: {  	_ =	swait.ge [sflag:s8], $0x1000  }
0x11c: {  	[sflag:s8] =	ssyncset.done $0x0  }
0x11d: {  	[sflag:s8] =	ssyncadd.s32 $0xFFFFF000  }
0x11e: {  	_ =	swait.ge [sflag:s8], $0x80  }
0x11f: {  	[sflag:s8] =	ssyncset.done $0x0  }
0x120: {  	[sflag:s8] =	ssyncadd.s32 $0xFFFFFF80  }
0x121: {  	_ =	swait.ge [sflag:s8], $0x80  }
0x122: {  	[sflag:s8] =	ssyncset.done $0x0  }
0x123: {  	[sflag:s8] =	ssyncadd.s32 $0xFFFFFF80  }
0x124: {  	_ =	swait.ge [sflag:s8], $0x1000  }
0x125: {  	[sflag:s8] =	ssyncset.done $0x0  }
0x126: {  	[sflag:s8] =	ssyncadd.s32 $0xFFFFF000  }
0x127: {  	_ =	swait.ge [sflag:s8], $0x1000  }
0x128: {  	[sflag:s8] =	ssyncset.done $0x0  }
0x129: {  	[sflag:s8] =	ssyncadd.s32 $0xFFFFF000  }
0x12a: {  	_ =	swait.ge [sflag:s8], $0x80  }
0x12b: {  	[sflag:s8] =	ssyncset.done $0x0  }
0x12c: {  	[sflag:s8] =	ssyncadd.s32 $0xFFFFFF80  }
0x12d: {  	_ =	swait.ge [sflag:s8], $0x80  }
0x12e: {  	[sflag:s8] =	ssyncset.done $0x0  }
0x12f: {  	[sflag:s8] =	ssyncadd.s32 $0xFFFFFF80  }
0x130: {  	_ =	swait.ge [sflag:s8], $0x1000  }
0x131: {  	[sflag:s8] =	ssyncset.done $0x0  }
0x132: {  	[sflag:s8] =	ssyncadd.s32 $0xFFFFF000  }
0x133: {  	_ =	swait.ge [sflag:s8], $0x1000  }
0x134: {  	[sflag:s8] =	ssyncset.done $0x0  }
0x135: {  	[sflag:s8] =	ssyncadd.s32 $0xFFFFF000  }
0x136: {  	_ =	swait.ge [sflag:s8], $0x80  }
0x137: {  	[sflag:s8] =	ssyncset.done $0x0  }
0x138: {  	[sflag:s8] =	ssyncadd.s32 $0xFFFFFF80  }
0x139: {  	_ =	swait.ge [sflag:s8], $0x80  }
0x13a: {  	[sflag:s8] =	ssyncset.done $0x0  }
0x13b: {  	s26 =	rddreg [dreg:$0x5];
	[sflag:s8] =	ssyncadd.s32 $0xFFFFFF80  }
0x13c: {  	[hbm4b:s26+s2] =	stream.linear.scatter [tilespmem:s7], [sflag:$0x2], $0x4000, $0x38;
	[tilespmem:$0x8800] =	vst v63  }
0x13d: {  	_ =	swait.ge [sflag:s3], $0x4000  }
0x13e: {  	[sflag:s3] =	ssyncset.done $0x0  }
0x13f: {  	s28 =	rddreg [dreg:$0x6];
	[sflag:s3] =	ssyncadd.s32 $0xFFFFC000  }
0x140: {  	[hbm4b:s28+s2] =	stream.linear.scatter [tilespmem:s6], [sflag:$0x2], $0x4000, $0x38;
	[tilespmem:$0x8800] =	vst v63  }
0x141: {  	_ =	swait.ge [sflag:s3], $0x4000  }
0x142: {  	[sflag:s3] =	ssyncset.done $0x0  }
0x143: {  	s29 =	rddreg [dreg:$0x7];
	[sflag:s3] =	ssyncadd.s32 $0xFFFFC000  }
0x144: {  	[hbm4b:s29+s2] =	stream.linear.scatter [tilespmem:s5], [sflag:$0x2], $0x200, $0x38;
	[tilespmem:$0x8800] =	vst v63  }
0x145: {  	_ =	swait.ge [sflag:s3], $0x200  }
0x146: {  	[sflag:s3] =	ssyncset.done $0x0  }
0x147: {  	s30 =	rddreg [dreg:$0x8];
	[sflag:s3] =	ssyncadd.s32 $0xFFFFFE00  }
0x148: {  	[hbm4b:s30+s2] =	stream.linear.scatter [tilespmem:s4], [sflag:$0x2], $0x200, $0x38;
	[tilespmem:$0x8800] =	vst v63  }
0x149: {  	_ =	swait.ge [sflag:s3], $0x200  }
0x14a: {  	[sflag:s3] =	ssyncset.done $0x0  }
0x14b: {  	[sflag:s3] =	ssyncadd.s32 $0xFFFFFE00  }
0x14c: {  	_ =	sfence.sel $0x180000  }
0x14d: {  	[bflag:$0x0] =	sbarrier.arrive $0xFFFF  }
0x14e: {  	_ =	strace $0x90000047  }
0x14f: {  	s31 =	stileid.u32;
	[bflag:$0x2] =	sbarrier.arrive $0xFFFF  }
0x150: {  	p0 =	sne.s32 s31, $0x0;
	s0 =	rddreg [dreg:$0x2]  }
0x151: {  	s0 =	sadd.s32 @!p0 $0x100000, s0  }
0x152: {  	[sflag:s0] =	ssyncadd.tile.s32 @!p0 $0x1;
	_ =	shalt  }
.Lfunc_end2:
_tile_overlayer_lowered:
.L_overlay_start_2:
0x153: {  	(tag) =	ssettag $0x2  }
0x154: {  	s0 =	rddreg [dreg:$0x0];
	s2 =	stileid.u32  }
0x155: {  	s1 =	rddreg [dreg:$0x1];
	p0 =	sne.s32 s2, $0x0  }
0x156: {  	s3 =	rddreg [dreg:$0x2];
	[bflag:$0x3] =	sbarrier.arrive $0xFFFF;
	s2 =	simm.s32 @!p0 $0x1C02  }
0x157: {  	[timem:s3], [sflag:s2] =	dma.local @!p0 [hbm:s0], s1  }
0x158: {  	s0 =	simm.s32 @!p0 $0x2  }
0x159: {  	_ =	swait.ge @!p0 [sflag:s0], s1  }
0x15a: {  	s1 =	ssub.s32 @!p0 $0x0, s1;
	[sflag:s0] =	ssyncset.done @!p0 $0x0  }
0x15b: {  	[sflag:s0] =	ssyncadd.s32 @!p0 s1  }
0x15c: {  	[bflag:$0x3] =	sbarrier.arrive $0xFFFF  }
0x15d: {  	_ =	shalt  }

</sc_bundles>
